<compile_context>
chip_gen: v7x
topology: tpu7x:2x2x1
jax: 0.10.2.dev20260603
libtpu: 0.0.44.dev20260713+nightly
codegen_flags: <defaults>
</compile_context>

<pallas_src>
import functools

import numpy as np
import jax
import jax.numpy as jnp
from jax import lax
from jax.experimental import pallas as pl
from jax.experimental.pallas import tpu as pltpu
from jax.experimental.pallas import tpu_sc as plsc

N = 10000
E = 320000
D = 128
ALPHA = 0.1
BETA = float(np.log(2.0))

NC = 2
NS = 16
NW = NC * NS
CH = 128
EP_T = 10240
NCH = EP_T // CH
EP = NW * EP_T
NP = 10240
STR = NP // NS
DUMMY = NP - 1

_MESH = plsc.VectorSubcoreMesh(core_axis_name="c", subcore_axis_name="s")


def _deg_body(col_hbm, zeros1_hbm, degp_hbm, col_v, ones_v, deg_sh):
    cid = lax.axis_index("c")
    sid = lax.axis_index("s")
    wid = cid * NS + sid
    pltpu.sync_copy(col_hbm.at[wid], col_v)
    ones16 = jnp.ones((16,), jnp.float32)
    for r in range(CH // 16):
        ones_v[pl.ds(r * 16, 16)] = ones16
    pltpu.sync_copy(zeros1_hbm.at[pl.ds(sid * STR, STR)],
                    deg_sh.at[pl.ds(sid * STR, STR)])
    plsc.subcore_barrier()

    def chunk(i, c):
        pltpu.sync_copy(ones_v, deg_sh.at[col_v.at[i]], add=True)
        return c

    lax.fori_loop(0, NCH, chunk, 0)
    plsc.subcore_barrier()
    pltpu.sync_copy(deg_sh.at[pl.ds(sid * STR, STR)],
                    degp_hbm.at[pl.ds(cid * NP + sid * STR, STR)])


_deg_call = pl.kernel(
    _deg_body,
    mesh=_MESH,
    out_type=jax.ShapeDtypeStruct((NC * NP,), jnp.float32),
    scratch_types=[
        pltpu.VMEM((NCH, CH), jnp.int32),
        pltpu.VMEM((CH,), jnp.float32),
        pltpu.VMEM_SHARED((NP,), jnp.float32),
    ],
)


TOT_CH = NW * NCH
F_T = 120
S_T = 40
F_BASE = NS * F_T


def _gs_body(y_hbm, combo_hbm, p_hbm, combo_v, row_st, col_st,
             b0, b1, accum, sg0, sg1, ss0, ss1):
    bufs = [b0, b1]
    sgs = [sg0, sg1]
    sss = [ss0, ss1]
    cid = lax.axis_index("c")
    sid = lax.axis_index("s")

    @pl.when(cid == 0)
    def _():
        pltpu.sync_copy(combo_hbm.at[pl.ds(sid * F_T, F_T)], combo_v)

    @pl.when(cid == 1)
    def _():
        pltpu.sync_copy(combo_hbm.at[pl.ds(F_BASE + sid * S_T, S_T)],
                        combo_v.at[pl.ds(0, S_T)])

    n = lax.select(cid == 0, F_T, S_T)

    zeros16 = jnp.zeros((16,), jnp.float32)

    def zrow(r, c):
        for k in range(D // 16):
            b0[r, pl.ds(k * 16, 16)] = zeros16
        return c

    lax.fori_loop(0, CH, zrow, 0)
    for t in range(STR // CH):
        pltpu.sync_copy(b0, accum.at[pl.ds(sid * STR + t * CH, CH)])
    plsc.subcore_barrier()

    def decode(j, s):
        for k in range(CH // 16):
            v = combo_v[j, pl.ds(k * 16, 16)]
            row_st[s, pl.ds(k * 16, 16)] = lax.shift_right_logical(v, 14)
            col_st[s, pl.ds(k * 16, 16)] = lax.bitwise_and(v, 16383)

    decode(0, 0)
    pltpu.async_copy(y_hbm.at[row_st.at[0]], bufs[0], sgs[0])

    def body(k2, c):
        for b in range(2):
            j = 2 * k2 + b
            nb = 1 - b
            pltpu.make_async_copy(y_hbm.at[row_st.at[b]], bufs[b],
                                  sgs[b]).wait()
            pltpu.async_copy(bufs[b], accum.at[col_st.at[b]], sss[b],
                             add=True)

            @pl.when(j + 1 < n)
            def _():
                decode(j + 1, nb)

                @pl.when(j >= 1)
                def _():
                    pltpu.make_async_copy(bufs[nb], accum.at[col_st.at[nb]],
                                          sss[nb]).wait()

                pltpu.async_copy(y_hbm.at[row_st.at[nb]], bufs[nb], sgs[nb])
        return c

    lax.fori_loop(0, lax.select(cid == 0, F_T // 2, S_T // 2), body, 0)
    for b in range(2):
        pltpu.make_async_copy(bufs[b], accum.at[col_st.at[b]], sss[b]).wait()
    plsc.subcore_barrier()
    pltpu.sync_copy(accum.at[pl.ds(sid * STR, STR)],
                    p_hbm.at[cid, pl.ds(sid * STR, STR)])


_gs_call = pl.kernel(
    _gs_body,
    mesh=_MESH,
    out_type=jax.ShapeDtypeStruct((NC, NP, D), jnp.float32),
    scratch_types=[
        pltpu.VMEM((F_T, CH), jnp.int32),
        pltpu.VMEM((2, CH), jnp.int32),
        pltpu.VMEM((2, CH), jnp.int32),
        pltpu.VMEM((CH, D), jnp.float32),
        pltpu.VMEM((CH, D), jnp.float32),
        pltpu.VMEM_SHARED((NP, D), jnp.float32),
        pltpu.SemaphoreType.DMA,
        pltpu.SemaphoreType.DMA,
        pltpu.SemaphoreType.DMA,
        pltpu.SemaphoreType.DMA,
    ],
)


def _y_body(degp_ref, x_ref, y_ref):
    deg = jnp.sum(degp_ref[...], axis=0) + 1.0
    dinv = lax.rsqrt(deg)
    y_ref[...] = x_ref[...] * dinv


_y_call = pl.pallas_call(
    _y_body, out_shape=jax.ShapeDtypeStruct((N, D), jnp.float32))


def _comb_body(degp_ref, p_ref, x_ref, x0_ref, w_ref, o_ref):
    deg = jnp.sum(degp_ref[...], axis=0) + 1.0
    dinv = lax.rsqrt(deg)
    p = p_ref[...]
    s = p[0, :N, :] + p[1, :N, :]
    x = x_ref[...]
    ax = dinv * s + (dinv * dinv) * x
    h = (1.0 - ALPHA) * ax + ALPHA * x0_ref[...]
    hw = jnp.dot(h, w_ref[...], preferred_element_type=jnp.float32)
    out = (1.0 - BETA) * h + BETA * hw
    o_ref[...] = x + jnp.maximum(out, 0.0)


_comb_call = pl.pallas_call(
    _comb_body, out_shape=jax.ShapeDtypeStruct((N, D), jnp.float32))


def kernel(x, x0, edge_index, W1):
    row = edge_index[0]
    col = edge_index[1]
    pad = jnp.full((EP - E,), DUMMY, jnp.int32)
    rowp = jnp.concatenate([row, pad]).reshape(NW, NCH, CH)
    colp = jnp.concatenate([col, pad]).reshape(NW, NCH, CH)
    zeros1 = jnp.zeros((NP,), jnp.float32)
    degp = _deg_call(colp, zeros1)
    degn = degp.reshape(NC, NP)[:, :N, None]
    y = _y_call(degn, x)
    ypad = jnp.concatenate([y, jnp.zeros((NP - N, D), jnp.float32)], axis=0)
    combo = (rowp * 16384 + colp).reshape(TOT_CH, CH)
    p = _gs_call(ypad, combo)
    return _comb_call(degn, p, x, x0, W1)

# --- scband reference (transcript-rebuilt; emitter-appended) ---
"""Pipeline reference for scband-gcn2-conv-layer-65455301591164 (READ-ONLY COPY).

The authoritative reference and input builder live on the scoring server;
editing this copy changes nothing except your own understanding.
"""

import jax, jax.numpy as jnp
import numpy as np

N = 10000
E = 320000
D = 128
ALPHA = 0.1
THETA = 1.0
LAYER = 1
BETA = float(np.log(THETA / LAYER + 1.0))


def setup_inputs(seed: int = 0) -> dict:
    key = jax.random.key(seed)
    k1, k2, k3, k4 = jax.random.split(key, 4)
    x = jax.random.normal(k1, (N, D), dtype=jnp.float32)
    x0 = jax.random.normal(k2, (N, D), dtype=jnp.float32)
    edge_index = jax.random.randint(k3, (2, E), 0, N, dtype=jnp.int32)
    # GCN2Conv shared weight matrix (glorot-ish init)
    W1 = jax.random.normal(k4, (D, D), dtype=jnp.float32) * (1.0 / np.sqrt(D))
    return {"x": x, "x0": x0, "edge_index": edge_index, "W1": W1}


def _gcn2_forward(x, x0, W1, edge_index):
    # gcn_norm with added self-loops (symmetric normalization)
    row = edge_index[0]
    col = edge_index[1]
    loops = jnp.arange(N, dtype=edge_index.dtype)
    row = jnp.concatenate([row, loops])
    col = jnp.concatenate([col, loops])
    w = jnp.ones(row.shape[0], dtype=x.dtype)
    deg = jax.ops.segment_sum(w, col, num_segments=N)
    dinv = jnp.where(deg > 0, jax.lax.rsqrt(jnp.maximum(deg, 1e-12)), 0.0)
    norm = dinv[row] * dinv[col]
    # propagate: gather source features, scale, scatter-add to targets
    msgs = x[row] * norm[:, None]
    ax = jax.ops.segment_sum(msgs, col, num_segments=N)
    # GCNII combination: initial residual + identity mapping (shared weights)
    h = (1.0 - ALPHA) * ax + ALPHA * x0
    out = (1.0 - BETA) * h + BETA * (h @ W1)
    # wrapper: relu, dropout(p=0.0, eval), residual add of x_in
    out = jax.nn.relu(out)
    out = x + out
    return out


def reference(x, x0, edge_index, W1):
    return _gcn2_forward(x, x0, W1, edge_index)

if __name__ == "__main__":
    import jax
    _d = setup_inputs()
    print(jax.jit(kernel)(*tuple(_d.values())))

</pallas_src>

<mosaic_0001>
#map = affine_map<(d0, d1) -> (0, 0, 0)>
#map1 = affine_map<(d0, d1) -> (0)>
module attributes {stable_mosaic.version = 14 : i64} {
  func.func @_deg_body(%arg0: i32, %arg1: i32, %arg2: memref<32x80x128xi32, #tpu.memory_space<hbm>>, %arg3: memref<10240xf32, #tpu.memory_space<hbm>>, %arg4: memref<20480xf32, #tpu.memory_space<hbm>>, %arg5: memref<80x128xi32, #tpu.memory_space<vmem>>, %arg6: memref<128xf32, #tpu.memory_space<vmem>>, %arg7: memref<10240xf32, #tpu.memory_space<vmem_shared>>) attributes {dimension_semantics = [#tpu.dimension_semantics<core_parallel>, #tpu.dimension_semantics<subcore_parallel>], iteration_bounds = array<i64: 2, 16>, scalar_prefetch = 0 : i64, scratch_operands = 3 : i64, tpu.core_type = #tpu.core_type<sc_vector_subcore>, window_params = [{transform_indices = #map}, {transform_indices = #map1}, {transform_indices = #map1}]} {
    %mul3A = arith.constant 16 : i32
    %mul3A_0 = arith.muli %arg0, %mul3A : i32
    %add3A = arith.addi %mul3A_0, %arg1 : i32
    "tpu.region"() ({
      %run_scoped3A = tpu.sem_alloc : memref<!tpu.dma_semaphore, #tpu.memory_space<semaphore_mem>>
      %dma_start3A = arith.constant 0 : i32
      %dma_start3A_50 = arith.constant 0 : i32
      %dma_start3A_51 = tpu.memref_slice %arg2[%add3A, %dma_start3A, %dma_start3A_50] : memref<32x80x128xi32, #tpu.memory_space<hbm>> -> memref<1x80x128xi32, #tpu.memory_space<hbm>>
      %dma_start3A_52 = tpu.memref_squeeze %dma_start3A_51 : memref<1x80x128xi32, #tpu.memory_space<hbm>> -> memref<80x128xi32, #tpu.memory_space<hbm>>
      %dma_start3A_53 = arith.constant 0 : i32
      %dma_start3A_54 = arith.constant 0 : i32
      %dma_start3A_55 = tpu.memref_slice %arg2[%add3A, %dma_start3A_53, %dma_start3A_54] : memref<32x80x128xi32, #tpu.memory_space<hbm>> -> memref<1x80x128xi32, #tpu.memory_space<hbm>>
      %dma_start3A_56 = tpu.memref_squeeze %dma_start3A_55 : memref<1x80x128xi32, #tpu.memory_space<hbm>> -> memref<80x128xi32, #tpu.memory_space<hbm>>
      tpu.enqueue_dma source(%dma_start3A_56 : memref<80x128xi32, #tpu.memory_space<hbm>>) target(%arg5 : memref<80x128xi32, #tpu.memory_space<vmem>>) target_semaphore(%run_scoped3A : memref<!tpu.dma_semaphore, #tpu.memory_space<semaphore_mem>>)
      %dma_wait3A = arith.constant 0 : i32
      %dma_wait3A_57 = arith.constant 0 : i32
      %dma_wait3A_58 = tpu.memref_slice %arg2[%add3A, %dma_wait3A, %dma_wait3A_57] : memref<32x80x128xi32, #tpu.memory_space<hbm>> -> memref<1x80x128xi32, #tpu.memory_space<hbm>>
      %dma_wait3A_59 = tpu.memref_squeeze %dma_wait3A_58 : memref<1x80x128xi32, #tpu.memory_space<hbm>> -> memref<80x128xi32, #tpu.memory_space<hbm>>
      %dma_wait3A_60 = arith.constant 0 : i32
      %dma_wait3A_61 = arith.constant 0 : i32
      %dma_wait3A_62 = tpu.memref_slice %arg2[%add3A, %dma_wait3A_60, %dma_wait3A_61] : memref<32x80x128xi32, #tpu.memory_space<hbm>> -> memref<1x80x128xi32, #tpu.memory_space<hbm>>
      %dma_wait3A_63 = tpu.memref_squeeze %dma_wait3A_62 : memref<1x80x128xi32, #tpu.memory_space<hbm>> -> memref<80x128xi32, #tpu.memory_space<hbm>>
      tpu.wait_dma2 semaphore(%run_scoped3A : memref<!tpu.dma_semaphore, #tpu.memory_space<semaphore_mem>>) src(%dma_wait3A_63 : memref<80x128xi32, #tpu.memory_space<hbm>>) dst(%arg5 : memref<80x128xi32, #tpu.memory_space<vmem>>)
      tpu.yield
    }) : () -> ()
    %broadcast_in_dim3A = arith.constant 1.000000e+00 : f32
    %broadcast_in_dim3A_1 = vector.broadcast %broadcast_in_dim3A : f32 to vector<16xf32>
    %swap3A = arith.constant 0 : index
    %swap3A_2 = tpu.vector_load %arg6[%swap3A] {strides = array<i32>} : memref<128xf32, #tpu.memory_space<vmem>>, vector<16xf32>,
    %swap3A_3 = vector.shape_cast %swap3A_2 : vector<16xf32> to vector<16xf32>
    %swap3A_4 = vector.shape_cast %broadcast_in_dim3A_1 : vector<16xf32> to vector<16xf32>
    tpu.vector_store %arg6[%swap3A], %swap3A_4 {strides = array<i32>} : memref<128xf32, #tpu.memory_space<vmem>>, vector<16xf32>,
    %swap3A_5 = arith.constant 16 : index
    %swap3A_6 = tpu.vector_load %arg6[%swap3A_5] {strides = array<i32>} : memref<128xf32, #tpu.memory_space<vmem>>, vector<16xf32>,
    %swap3A_7 = vector.shape_cast %swap3A_6 : vector<16xf32> to vector<16xf32>
    %swap3A_8 = vector.shape_cast %broadcast_in_dim3A_1 : vector<16xf32> to vector<16xf32>
    tpu.vector_store %arg6[%swap3A_5], %swap3A_8 {strides = array<i32>} : memref<128xf32, #tpu.memory_space<vmem>>, vector<16xf32>,
    %swap3A_9 = arith.constant 32 : index
    %swap3A_10 = tpu.vector_load %arg6[%swap3A_9] {strides = array<i32>} : memref<128xf32, #tpu.memory_space<vmem>>, vector<16xf32>,
    %swap3A_11 = vector.shape_cast %swap3A_10 : vector<16xf32> to vector<16xf32>
    %swap3A_12 = vector.shape_cast %broadcast_in_dim3A_1 : vector<16xf32> to vector<16xf32>
    tpu.vector_store %arg6[%swap3A_9], %swap3A_12 {strides = array<i32>} : memref<128xf32, #tpu.memory_space<vmem>>, vector<16xf32>,
    %swap3A_13 = arith.constant 48 : index
    %swap3A_14 = tpu.vector_load %arg6[%swap3A_13] {strides = array<i32>} : memref<128xf32, #tpu.memory_space<vmem>>, vector<16xf32>,
    %swap3A_15 = vector.shape_cast %swap3A_14 : vector<16xf32> to vector<16xf32>
    %swap3A_16 = vector.shape_cast %broadcast_in_dim3A_1 : vector<16xf32> to vector<16xf32>
    tpu.vector_store %arg6[%swap3A_13], %swap3A_16 {strides = array<i32>} : memref<128xf32, #tpu.memory_space<vmem>>, vector<16xf32>,
    %swap3A_17 = arith.constant 64 : index
    %swap3A_18 = tpu.vector_load %arg6[%swap3A_17] {strides = array<i32>} : memref<128xf32, #tpu.memory_space<vmem>>, vector<16xf32>,
    %swap3A_19 = vector.shape_cast %swap3A_18 : vector<16xf32> to vector<16xf32>
    %swap3A_20 = vector.shape_cast %broadcast_in_dim3A_1 : vector<16xf32> to vector<16xf32>
    tpu.vector_store %arg6[%swap3A_17], %swap3A_20 {strides = array<i32>} : memref<128xf32, #tpu.memory_space<vmem>>, vector<16xf32>,
    %swap3A_21 = arith.constant 80 : index
    %swap3A_22 = tpu.vector_load %arg6[%swap3A_21] {strides = array<i32>} : memref<128xf32, #tpu.memory_space<vmem>>, vector<16xf32>,
    %swap3A_23 = vector.shape_cast %swap3A_22 : vector<16xf32> to vector<16xf32>
    %swap3A_24 = vector.shape_cast %broadcast_in_dim3A_1 : vector<16xf32> to vector<16xf32>
    tpu.vector_store %arg6[%swap3A_21], %swap3A_24 {strides = array<i32>} : memref<128xf32, #tpu.memory_space<vmem>>, vector<16xf32>,
    %swap3A_25 = arith.constant 96 : index
    %swap3A_26 = tpu.vector_load %arg6[%swap3A_25] {strides = array<i32>} : memref<128xf32, #tpu.memory_space<vmem>>, vector<16xf32>,
    %swap3A_27 = vector.shape_cast %swap3A_26 : vector<16xf32> to vector<16xf32>
    %swap3A_28 = vector.shape_cast %broadcast_in_dim3A_1 : vector<16xf32> to vector<16xf32>
    tpu.vector_store %arg6[%swap3A_25], %swap3A_28 {strides = array<i32>} : memref<128xf32, #tpu.memory_space<vmem>>, vector<16xf32>,
    %swap3A_29 = arith.constant 112 : index
    %swap3A_30 = tpu.vector_load %arg6[%swap3A_29] {strides = array<i32>} : memref<128xf32, #tpu.memory_space<vmem>>, vector<16xf32>,
    %swap3A_31 = vector.shape_cast %swap3A_30 : vector<16xf32> to vector<16xf32>
    %swap3A_32 = vector.shape_cast %broadcast_in_dim3A_1 : vector<16xf32> to vector<16xf32>
    tpu.vector_store %arg6[%swap3A_29], %swap3A_32 {strides = array<i32>} : memref<128xf32, #tpu.memory_space<vmem>>, vector<16xf32>,
    %mul3A_33 = arith.constant 640 : i32
    %mul3A_34 = arith.muli %arg1, %mul3A_33 : i32
    %mul3A_35 = arith.constant 640 : i32
    %mul3A_36 = arith.muli %arg1, %mul3A_35 : i32
    "tpu.region"() ({
      %run_scoped3A = tpu.sem_alloc : memref<!tpu.dma_semaphore, #tpu.memory_space<semaphore_mem>>
      %dma_start3A = tpu.memref_slice %arg7[%mul3A_36] : memref<10240xf32, #tpu.memory_space<vmem_shared>> -> memref<640xf32, #tpu.memory_space<vmem_shared>>
      %dma_start3A_50 = tpu.memref_slice %arg3[%mul3A_34] : memref<10240xf32, #tpu.memory_space<hbm>> -> memref<640xf32, #tpu.memory_space<hbm>>
      tpu.enqueue_dma source(%dma_start3A_50 : memref<640xf32, #tpu.memory_space<hbm>>) target(%dma_start3A : memref<640xf32, #tpu.memory_space<vmem_shared>>) target_semaphore(%run_scoped3A : memref<!tpu.dma_semaphore, #tpu.memory_space<semaphore_mem>>)
      %dma_wait3A = tpu.memref_slice %arg7[%mul3A_36] : memref<10240xf32, #tpu.memory_space<vmem_shared>> -> memref<640xf32, #tpu.memory_space<vmem_shared>>
      %dma_wait3A_51 = tpu.memref_slice %arg3[%mul3A_34] : memref<10240xf32, #tpu.memory_space<hbm>> -> memref<640xf32, #tpu.memory_space<hbm>>
      tpu.wait_dma2 semaphore(%run_scoped3A : memref<!tpu.dma_semaphore, #tpu.memory_space<semaphore_mem>>) src(%dma_wait3A_51 : memref<640xf32, #tpu.memory_space<hbm>>) dst(%dma_wait3A : memref<640xf32, #tpu.memory_space<vmem_shared>>)
      tpu.yield
    }) : () -> ()
    %barrier3A = arith.constant 0 : index
    tpu.barrier barrier_id(%barrier3A)
    %scan3A = arith.constant 0 : i32
    %scan3A_37 = arith.constant 0 : i32
    %scan3A_38 = arith.constant 80 : i32
    %scan3A_39 = arith.addi %scan3A_37, %scan3A_38 : i32
    %scan3A_40 = arith.constant 1 : i32
    scf.for %scan3A_50 = %scan3A_37 to %scan3A_39 step %scan3A_40  : i32 {
      "tpu.region"() ({
        %run_scoped3A = tpu.sem_alloc : memref<!tpu.dma_semaphore, #tpu.memory_space<semaphore_mem>>
        %dma_start3A = arith.constant 0 : i32
        %dma_start3A_51 = tpu.memref_slice %arg5[%scan3A_50, %dma_start3A] : memref<80x128xi32, #tpu.memory_space<vmem>> -> memref<1x128xi32, #tpu.memory_space<vmem>>
        %dma_start3A_52 = tpu.memref_squeeze %dma_start3A_51 : memref<1x128xi32, #tpu.memory_space<vmem>> -> memref<128xi32, #tpu.memory_space<vmem>>
        %dma_start3A_53 = arith.constant 0 : i32
        %dma_start3A_54 = tpu.memref_slice %arg7[%dma_start3A_53] : memref<10240xf32, #tpu.memory_space<vmem_shared>> -> memref<10240xf32, #tpu.memory_space<vmem_shared>>
        tpu.enqueue_indirect_dma source(%arg6 : memref<128xf32, #tpu.memory_space<vmem>>) target(%dma_start3A_54 : memref<10240xf32, #tpu.memory_space<vmem_shared>>) offsets(%dma_start3A_52 : memref<128xi32, #tpu.memory_space<vmem>>) semaphore(%run_scoped3A : memref<!tpu.dma_semaphore, #tpu.memory_space<semaphore_mem>>) {add = true}
        %dma_wait3A = arith.constant 0 : i32
        %dma_wait3A_55 = tpu.memref_slice %arg5[%scan3A_50, %dma_wait3A] : memref<80x128xi32, #tpu.memory_space<vmem>> -> memref<1x128xi32, #tpu.memory_space<vmem>>
        %dma_wait3A_56 = tpu.memref_squeeze %dma_wait3A_55 : memref<1x128xi32, #tpu.memory_space<vmem>> -> memref<128xi32, #tpu.memory_space<vmem>>
        %dma_wait3A_57 = arith.constant 0 : i32
        %dma_wait3A_58 = tpu.memref_slice %arg7[%dma_wait3A_57] : memref<10240xf32, #tpu.memory_space<vmem_shared>> -> memref<10240xf32, #tpu.memory_space<vmem_shared>>
        tpu.wait_indirect_dma semaphore(%run_scoped3A : memref<!tpu.dma_semaphore, #tpu.memory_space<semaphore_mem>>) src(%arg6 : memref<128xf32, #tpu.memory_space<vmem>>) dst(%dma_wait3A_58 : memref<10240xf32, #tpu.memory_space<vmem_shared>>)
        tpu.yield
      }) : () -> ()
    }
    %scan3A_41 = arith.constant 80 : i32
    %barrier3A_42 = arith.constant 0 : index
    tpu.barrier barrier_id(%barrier3A_42)
    %mul3A_43 = arith.constant 640 : i32
    %mul3A_44 = arith.muli %arg1, %mul3A_43 : i32
    %mul3A_45 = arith.constant 10240 : i32
    %mul3A_46 = arith.muli %arg0, %mul3A_45 : i32
    %mul3A_47 = arith.constant 640 : i32
    %mul3A_48 = arith.muli %arg1, %mul3A_47 : i32
    %add3A_49 = arith.addi %mul3A_46, %mul3A_48 : i32
    "tpu.region"() ({
      %run_scoped3A = tpu.sem_alloc : memref<!tpu.dma_semaphore, #tpu.memory_space<semaphore_mem>>
      %dma_start3A = tpu.memref_slice %arg4[%add3A_49] : memref<20480xf32, #tpu.memory_space<hbm>> -> memref<640xf32, #tpu.memory_space<hbm>>
      %dma_start3A_50 = tpu.memref_slice %arg7[%mul3A_44] : memref<10240xf32, #tpu.memory_space<vmem_shared>> -> memref<640xf32, #tpu.memory_space<vmem_shared>>
      tpu.enqueue_dma source(%dma_start3A_50 : memref<640xf32, #tpu.memory_space<vmem_shared>>) target(%dma_start3A : memref<640xf32, #tpu.memory_space<hbm>>) target_semaphore(%run_scoped3A : memref<!tpu.dma_semaphore, #tpu.memory_space<semaphore_mem>>)
      %dma_wait3A = tpu.memref_slice %arg4[%add3A_49] : memref<20480xf32, #tpu.memory_space<hbm>> -> memref<640xf32, #tpu.memory_space<hbm>>
      %dma_wait3A_51 = tpu.memref_slice %arg7[%mul3A_44] : memref<10240xf32, #tpu.memory_space<vmem_shared>> -> memref<640xf32, #tpu.memory_space<vmem_shared>>
      tpu.wait_dma2 semaphore(%run_scoped3A : memref<!tpu.dma_semaphore, #tpu.memory_space<semaphore_mem>>) src(%dma_wait3A_51 : memref<640xf32, #tpu.memory_space<vmem_shared>>) dst(%dma_wait3A : memref<640xf32, #tpu.memory_space<hbm>>)
      tpu.yield
    }) : () -> ()
    return
  }
}

#map = affine_map<(d0, d1) -> (0, 0)>
#map1 = affine_map<(d0, d1) -> (0, 0, 0)>
module attributes {stable_mosaic.version = 14 : i64} {
  func.func @_gs_body(%arg0: i32, %arg1: i32, %arg2: memref<10240x128xf32, #tpu.memory_space<hbm>>, %arg3: memref<2560x128xi32, #tpu.memory_space<hbm>>, %arg4: memref<2x10240x128xf32, #tpu.memory_space<hbm>>, %arg5: memref<120x128xi32, #tpu.memory_space<vmem>>, %arg6: memref<2x128xi32, #tpu.memory_space<vmem>>, %arg7: memref<2x128xi32, #tpu.memory_space<vmem>>, %arg8: memref<128x128xf32, #tpu.memory_space<vmem>>, %arg9: memref<128x128xf32, #tpu.memory_space<vmem>>, %arg10: memref<10240x128xf32, #tpu.memory_space<vmem_shared>>, %arg11: memref<!tpu.dma_semaphore, #tpu.memory_space<semaphore_mem>>, %arg12: memref<!tpu.dma_semaphore, #tpu.memory_space<semaphore_mem>>, %arg13: memref<!tpu.dma_semaphore, #tpu.memory_space<semaphore_mem>>, %arg14: memref<!tpu.dma_semaphore, #tpu.memory_space<semaphore_mem>>) attributes {dimension_semantics = [#tpu.dimension_semantics<core_parallel>, #tpu.dimension_semantics<subcore_parallel>], iteration_bounds = array<i64: 2, 16>, scalar_prefetch = 0 : i64, scratch_operands = 10 : i64, tpu.core_type = #tpu.core_type<sc_vector_subcore>, window_params = [{transform_indices = #map}, {transform_indices = #map}, {transform_indices = #map1}]} {
    %eq3A = arith.constant 0 : i32
    %eq3A_0 = arith.cmpi eq, %arg0, %eq3A : i32
    %convert_element_type3A = arith.extui %eq3A_0 : i1 to i32
    %cond3A = arith.constant 0 : i32
    %cond3A_1 = arith.cmpi ne, %convert_element_type3A, %cond3A : i32
    scf.if %cond3A_1 {
      %mul3A_253 = arith.constant 120 : i32
      %mul3A_254 = arith.muli %arg1, %mul3A_253 : i32
      "tpu.region"() ({
        %run_scoped3A = tpu.sem_alloc : memref<!tpu.dma_semaphore, #tpu.memory_space<semaphore_mem>>
        %dma_start3A_255 = arith.constant 0 : i32
        %dma_start3A_256 = tpu.memref_slice %arg3[%mul3A_254, %dma_start3A_255] : memref<2560x128xi32, #tpu.memory_space<hbm>> -> memref<120x128xi32, #tpu.memory_space<hbm>>
        %dma_start3A_257 = arith.constant 0 : i32
        %dma_start3A_258 = tpu.memref_slice %arg3[%mul3A_254, %dma_start3A_257] : memref<2560x128xi32, #tpu.memory_space<hbm>> -> memref<120x128xi32, #tpu.memory_space<hbm>>
        tpu.enqueue_dma source(%dma_start3A_258 : memref<120x128xi32, #tpu.memory_space<hbm>>) target(%arg5 : memref<120x128xi32, #tpu.memory_space<vmem>>) target_semaphore(%run_scoped3A : memref<!tpu.dma_semaphore, #tpu.memory_space<semaphore_mem>>)
        %dma_wait3A_259 = arith.constant 0 : i32
        %dma_wait3A_260 = tpu.memref_slice %arg3[%mul3A_254, %dma_wait3A_259] : memref<2560x128xi32, #tpu.memory_space<hbm>> -> memref<120x128xi32, #tpu.memory_space<hbm>>
        %dma_wait3A_261 = arith.constant 0 : i32
        %dma_wait3A_262 = tpu.memref_slice %arg3[%mul3A_254, %dma_wait3A_261] : memref<2560x128xi32, #tpu.memory_space<hbm>> -> memref<120x128xi32, #tpu.memory_space<hbm>>
        tpu.wait_dma2 semaphore(%run_scoped3A : memref<!tpu.dma_semaphore, #tpu.memory_space<semaphore_mem>>) src(%dma_wait3A_262 : memref<120x128xi32, #tpu.memory_space<hbm>>) dst(%arg5 : memref<120x128xi32, #tpu.memory_space<vmem>>)
        tpu.yield
      }) : () -> ()
    } else {
    }
    %eq3A_2 = arith.constant 1 : i32
    %eq3A_3 = arith.cmpi eq, %arg0, %eq3A_2 : i32
    %convert_element_type3A_4 = arith.extui %eq3A_3 : i1 to i32
    %cond3A_5 = arith.constant 0 : i32
    %cond3A_6 = arith.cmpi ne, %convert_element_type3A_4, %cond3A_5 : i32
    scf.if %cond3A_6 {
      %mul3A_253 = arith.constant 40 : i32
      %mul3A_254 = arith.muli %arg1, %mul3A_253 : i32
      %add3A_255 = arith.constant 1920 : i32
      %add3A_256 = arith.addi %add3A_255, %mul3A_254 : i32
      "tpu.region"() ({
        %run_scoped3A = tpu.sem_alloc : memref<!tpu.dma_semaphore, #tpu.memory_space<semaphore_mem>>
        %dma_start3A_257 = arith.constant 0 : i32
        %dma_start3A_258 = arith.constant 0 : i32
        %dma_start3A_259 = tpu.memref_slice %arg5[%dma_start3A_257, %dma_start3A_258] : memref<120x128xi32, #tpu.memory_space<vmem>> -> memref<40x128xi32, #tpu.memory_space<vmem>>
        %dma_start3A_260 = arith.constant 0 : i32
        %dma_start3A_261 = tpu.memref_slice %arg3[%add3A_256, %dma_start3A_260] : memref<2560x128xi32, #tpu.memory_space<hbm>> -> memref<40x128xi32, #tpu.memory_space<hbm>>
        %dma_start3A_262 = arith.constant 0 : i32
        %dma_start3A_263 = arith.constant 0 : i32
        %dma_start3A_264 = tpu.memref_slice %arg5[%dma_start3A_262, %dma_start3A_263] : memref<120x128xi32, #tpu.memory_space<vmem>> -> memref<40x128xi32, #tpu.memory_space<vmem>>
        %dma_start3A_265 = arith.constant 0 : i32
        %dma_start3A_266 = tpu.memref_slice %arg3[%add3A_256, %dma_start3A_265] : memref<2560x128xi32, #tpu.memory_space<hbm>> -> memref<40x128xi32, #tpu.memory_space<hbm>>
        tpu.enqueue_dma source(%dma_start3A_266 : memref<40x128xi32, #tpu.memory_space<hbm>>) target(%dma_start3A_264 : memref<40x128xi32, #tpu.memory_space<vmem>>) target_semaphore(%run_scoped3A : memref<!tpu.dma_semaphore, #tpu.memory_space<semaphore_mem>>)
        %dma_wait3A_267 = arith.constant 0 : i32
        %dma_wait3A_268 = arith.constant 0 : i32
        %dma_wait3A_269 = tpu.memref_slice %arg5[%dma_wait3A_267, %dma_wait3A_268] : memref<120x128xi32, #tpu.memory_space<vmem>> -> memref<40x128xi32, #tpu.memory_space<vmem>>
        %dma_wait3A_270 = arith.constant 0 : i32
        %dma_wait3A_271 = tpu.memref_slice %arg3[%add3A_256, %dma_wait3A_270] : memref<2560x128xi32, #tpu.memory_space<hbm>> -> memref<40x128xi32, #tpu.memory_space<hbm>>
        %dma_wait3A_272 = arith.constant 0 : i32
        %dma_wait3A_273 = arith.constant 0 : i32
        %dma_wait3A_274 = tpu.memref_slice %arg5[%dma_wait3A_272, %dma_wait3A_273] : memref<120x128xi32, #tpu.memory_space<vmem>> -> memref<40x128xi32, #tpu.memory_space<vmem>>
        %dma_wait3A_275 = arith.constant 0 : i32
        %dma_wait3A_276 = tpu.memref_slice %arg3[%add3A_256, %dma_wait3A_275] : memref<2560x128xi32, #tpu.memory_space<hbm>> -> memref<40x128xi32, #tpu.memory_space<hbm>>
        tpu.wait_dma2 semaphore(%run_scoped3A : memref<!tpu.dma_semaphore, #tpu.memory_space<semaphore_mem>>) src(%dma_wait3A_276 : memref<40x128xi32, #tpu.memory_space<hbm>>) dst(%dma_wait3A_274 : memref<40x128xi32, #tpu.memory_space<vmem>>)
        tpu.yield
      }) : () -> ()
    } else {
    }
    %eq3A_7 = arith.constant 0 : i32
    %eq3A_8 = arith.cmpi eq, %arg0, %eq3A_7 : i32
    %select_n3A = arith.constant 40 : i32
    %select_n3A_9 = arith.constant 120 : i32
    %select_n3A_10 = arith.select %eq3A_8, %select_n3A_9, %select_n3A : i32
    %broadcast_in_dim3A = arith.constant 0.000000e+00 : f32
    %broadcast_in_dim3A_11 = vector.broadcast %broadcast_in_dim3A : f32 to vector<16xf32>
    %scan3A = arith.constant 0 : i32
    %scan3A_12 = arith.constant 0 : i32
    %scan3A_13 = arith.constant 128 : i32
    %scan3A_14 = arith.addi %scan3A_12, %scan3A_13 : i32
    %scan3A_15 = arith.constant 1 : i32
    scf.for %scan3A_253 = %scan3A_12 to %scan3A_14 step %scan3A_15  : i32 {
      %swap3A_254 = arith.index_cast %scan3A_253 : i32 to index
      %swap3A_255 = arith.constant 0 : index
      %swap3A_256 = tpu.vector_load %arg8[%swap3A_254, %swap3A_255] {strides = array<i32>} : memref<128x128xf32, #tpu.memory_space<vmem>>, vector<1x16xf32>,
      %swap3A_257 = vector.shape_cast %swap3A_256 : vector<1x16xf32> to vector<16xf32>
      %swap3A_258 = vector.shape_cast %broadcast_in_dim3A_11 : vector<16xf32> to vector<1x16xf32>
      tpu.vector_store %arg8[%swap3A_254, %swap3A_255], %swap3A_258 {strides = array<i32>} : memref<128x128xf32, #tpu.memory_space<vmem>>, vector<1x16xf32>,
      %swap3A_259 = arith.index_cast %scan3A_253 : i32 to index
      %swap3A_260 = arith.constant 16 : index
      %swap3A_261 = tpu.vector_load %arg8[%swap3A_259, %swap3A_260] {strides = array<i32>} : memref<128x128xf32, #tpu.memory_space<vmem>>, vector<1x16xf32>,
      %swap3A_262 = vector.shape_cast %swap3A_261 : vector<1x16xf32> to vector<16xf32>
      %swap3A_263 = vector.shape_cast %broadcast_in_dim3A_11 : vector<16xf32> to vector<1x16xf32>
      tpu.vector_store %arg8[%swap3A_259, %swap3A_260], %swap3A_263 {strides = array<i32>} : memref<128x128xf32, #tpu.memory_space<vmem>>, vector<1x16xf32>,
      %swap3A_264 = arith.index_cast %scan3A_253 : i32 to index
      %swap3A_265 = arith.constant 32 : index
      %swap3A_266 = tpu.vector_load %arg8[%swap3A_264, %swap3A_265] {strides = array<i32>} : memref<128x128xf32, #tpu.memory_space<vmem>>, vector<1x16xf32>,
      %swap3A_267 = vector.shape_cast %swap3A_266 : vector<1x16xf32> to vector<16xf32>
      %swap3A_268 = vector.shape_cast %broadcast_in_dim3A_11 : vector<16xf32> to vector<1x16xf32>
      tpu.vector_store %arg8[%swap3A_264, %swap3A_265], %swap3A_268 {strides = array<i32>} : memref<128x128xf32, #tpu.memory_space<vmem>>, vector<1x16xf32>,
      %swap3A_269 = arith.index_cast %scan3A_253 : i32 to index
      %swap3A_270 = arith.constant 48 : index
      %swap3A_271 = tpu.vector_load %arg8[%swap3A_269, %swap3A_270] {strides = array<i32>} : memref<128x128xf32, #tpu.memory_space<vmem>>, vector<1x16xf32>,
      %swap3A_272 = vector.shape_cast %swap3A_271 : vector<1x16xf32> to vector<16xf32>
      %swap3A_273 = vector.shape_cast %broadcast_in_dim3A_11 : vector<16xf32> to vector<1x16xf32>
      tpu.vector_store %arg8[%swap3A_269, %swap3A_270], %swap3A_273 {strides = array<i32>} : memref<128x128xf32, #tpu.memory_space<vmem>>, vector<1x16xf32>,
      %swap3A_274 = arith.index_cast %scan3A_253 : i32 to index
      %swap3A_275 = arith.constant 64 : index
      %swap3A_276 = tpu.vector_load %arg8[%swap3A_274, %swap3A_275] {strides = array<i32>} : memref<128x128xf32, #tpu.memory_space<vmem>>, vector<1x16xf32>,
      %swap3A_277 = vector.shape_cast %swap3A_276 : vector<1x16xf32> to vector<16xf32>
      %swap3A_278 = vector.shape_cast %broadcast_in_dim3A_11 : vector<16xf32> to vector<1x16xf32>
      tpu.vector_store %arg8[%swap3A_274, %swap3A_275], %swap3A_278 {strides = array<i32>} : memref<128x128xf32, #tpu.memory_space<vmem>>, vector<1x16xf32>,
      %swap3A_279 = arith.index_cast %scan3A_253 : i32 to index
      %swap3A_280 = arith.constant 80 : index
      %swap3A_281 = tpu.vector_load %arg8[%swap3A_279, %swap3A_280] {strides = array<i32>} : memref<128x128xf32, #tpu.memory_space<vmem>>, vector<1x16xf32>,
      %swap3A_282 = vector.shape_cast %swap3A_281 : vector<1x16xf32> to vector<16xf32>
      %swap3A_283 = vector.shape_cast %broadcast_in_dim3A_11 : vector<16xf32> to vector<1x16xf32>
      tpu.vector_store %arg8[%swap3A_279, %swap3A_280], %swap3A_283 {strides = array<i32>} : memref<128x128xf32, #tpu.memory_space<vmem>>, vector<1x16xf32>,
      %swap3A_284 = arith.index_cast %scan3A_253 : i32 to index
      %swap3A_285 = arith.constant 96 : index
      %swap3A_286 = tpu.vector_load %arg8[%swap3A_284, %swap3A_285] {strides = array<i32>} : memref<128x128xf32, #tpu.memory_space<vmem>>, vector<1x16xf32>,
      %swap3A_287 = vector.shape_cast %swap3A_286 : vector<1x16xf32> to vector<16xf32>
      %swap3A_288 = vector.shape_cast %broadcast_in_dim3A_11 : vector<16xf32> to vector<1x16xf32>
      tpu.vector_store %arg8[%swap3A_284, %swap3A_285], %swap3A_288 {strides = array<i32>} : memref<128x128xf32, #tpu.memory_space<vmem>>, vector<1x16xf32>,
      %swap3A_289 = arith.index_cast %scan3A_253 : i32 to index
      %swap3A_290 = arith.constant 112 : index
      %swap3A_291 = tpu.vector_load %arg8[%swap3A_289, %swap3A_290] {strides = array<i32>} : memref<128x128xf32, #tpu.memory_space<vmem>>, vector<1x16xf32>,
      %swap3A_292 = vector.shape_cast %swap3A_291 : vector<1x16xf32> to vector<16xf32>
      %swap3A_293 = vector.shape_cast %broadcast_in_dim3A_11 : vector<16xf32> to vector<1x16xf32>
      tpu.vector_store %arg8[%swap3A_289, %swap3A_290], %swap3A_293 {strides = array<i32>} : memref<128x128xf32, #tpu.memory_space<vmem>>, vector<1x16xf32>,
    }
    %scan3A_16 = arith.constant 128 : i32
    %mul3A = arith.constant 640 : i32
    %mul3A_17 = arith.muli %arg1, %mul3A : i32
    %add3A = arith.constant 0 : i32
    %add3A_18 = arith.addi %mul3A_17, %add3A : i32
    "tpu.region"() ({
      %run_scoped3A = tpu.sem_alloc : memref<!tpu.dma_semaphore, #tpu.memory_space<semaphore_mem>>
      %dma_start3A_253 = arith.constant 0 : i32
      %dma_start3A_254 = tpu.memref_slice %arg10[%add3A_18, %dma_start3A_253] : memref<10240x128xf32, #tpu.memory_space<vmem_shared>> -> memref<128x128xf32, #tpu.memory_space<vmem_shared>>
      %dma_start3A_255 = arith.constant 0 : i32
      %dma_start3A_256 = tpu.memref_slice %arg10[%add3A_18, %dma_start3A_255] : memref<10240x128xf32, #tpu.memory_space<vmem_shared>> -> memref<128x128xf32, #tpu.memory_space<vmem_shared>>
      tpu.enqueue_dma source(%arg8 : memref<128x128xf32, #tpu.memory_space<vmem>>) target(%dma_start3A_256 : memref<128x128xf32, #tpu.memory_space<vmem_shared>>) target_semaphore(%run_scoped3A : memref<!tpu.dma_semaphore, #tpu.memory_space<semaphore_mem>>)
      %dma_wait3A_257 = arith.constant 0 : i32
      %dma_wait3A_258 = tpu.memref_slice %arg10[%add3A_18, %dma_wait3A_257] : memref<10240x128xf32, #tpu.memory_space<vmem_shared>> -> memref<128x128xf32, #tpu.memory_space<vmem_shared>>
      %dma_wait3A_259 = arith.constant 0 : i32
      %dma_wait3A_260 = tpu.memref_slice %arg10[%add3A_18, %dma_wait3A_259] : memref<10240x128xf32, #tpu.memory_space<vmem_shared>> -> memref<128x128xf32, #tpu.memory_space<vmem_shared>>
      tpu.wait_dma2 semaphore(%run_scoped3A : memref<!tpu.dma_semaphore, #tpu.memory_space<semaphore_mem>>) src(%arg8 : memref<128x128xf32, #tpu.memory_space<vmem>>) dst(%dma_wait3A_260 : memref<128x128xf32, #tpu.memory_space<vmem_shared>>)
      tpu.yield
    }) : () -> ()
    %mul3A_19 = arith.constant 640 : i32
    %mul3A_20 = arith.muli %arg1, %mul3A_19 : i32
    %add3A_21 = arith.constant 128 : i32
    %add3A_22 = arith.addi %mul3A_20, %add3A_21 : i32
    "tpu.region"() ({
      %run_scoped3A = tpu.sem_alloc : memref<!tpu.dma_semaphore, #tpu.memory_space<semaphore_mem>>
      %dma_start3A_253 = arith.constant 0 : i32
      %dma_start3A_254 = tpu.memref_slice %arg10[%add3A_22, %dma_start3A_253] : memref<10240x128xf32, #tpu.memory_space<vmem_shared>> -> memref<128x128xf32, #tpu.memory_space<vmem_shared>>
      %dma_start3A_255 = arith.constant 0 : i32
      %dma_start3A_256 = tpu.memref_slice %arg10[%add3A_22, %dma_start3A_255] : memref<10240x128xf32, #tpu.memory_space<vmem_shared>> -> memref<128x128xf32, #tpu.memory_space<vmem_shared>>
      tpu.enqueue_dma source(%arg8 : memref<128x128xf32, #tpu.memory_space<vmem>>) target(%dma_start3A_256 : memref<128x128xf32, #tpu.memory_space<vmem_shared>>) target_semaphore(%run_scoped3A : memref<!tpu.dma_semaphore, #tpu.memory_space<semaphore_mem>>)
      %dma_wait3A_257 = arith.constant 0 : i32
      %dma_wait3A_258 = tpu.memref_slice %arg10[%add3A_22, %dma_wait3A_257] : memref<10240x128xf32, #tpu.memory_space<vmem_shared>> -> memref<128x128xf32, #tpu.memory_space<vmem_shared>>
      %dma_wait3A_259 = arith.constant 0 : i32
      %dma_wait3A_260 = tpu.memref_slice %arg10[%add3A_22, %dma_wait3A_259] : memref<10240x128xf32, #tpu.memory_space<vmem_shared>> -> memref<128x128xf32, #tpu.memory_space<vmem_shared>>
      tpu.wait_dma2 semaphore(%run_scoped3A : memref<!tpu.dma_semaphore, #tpu.memory_space<semaphore_mem>>) src(%arg8 : memref<128x128xf32, #tpu.memory_space<vmem>>) dst(%dma_wait3A_260 : memref<128x128xf32, #tpu.memory_space<vmem_shared>>)
      tpu.yield
    }) : () -> ()
    %mul3A_23 = arith.constant 640 : i32
    %mul3A_24 = arith.muli %arg1, %mul3A_23 : i32
    %add3A_25 = arith.constant 256 : i32
    %add3A_26 = arith.addi %mul3A_24, %add3A_25 : i32
    "tpu.region"() ({
      %run_scoped3A = tpu.sem_alloc : memref<!tpu.dma_semaphore, #tpu.memory_space<semaphore_mem>>
      %dma_start3A_253 = arith.constant 0 : i32
      %dma_start3A_254 = tpu.memref_slice %arg10[%add3A_26, %dma_start3A_253] : memref<10240x128xf32, #tpu.memory_space<vmem_shared>> -> memref<128x128xf32, #tpu.memory_space<vmem_shared>>
      %dma_start3A_255 = arith.constant 0 : i32
      %dma_start3A_256 = tpu.memref_slice %arg10[%add3A_26, %dma_start3A_255] : memref<10240x128xf32, #tpu.memory_space<vmem_shared>> -> memref<128x128xf32, #tpu.memory_space<vmem_shared>>
      tpu.enqueue_dma source(%arg8 : memref<128x128xf32, #tpu.memory_space<vmem>>) target(%dma_start3A_256 : memref<128x128xf32, #tpu.memory_space<vmem_shared>>) target_semaphore(%run_scoped3A : memref<!tpu.dma_semaphore, #tpu.memory_space<semaphore_mem>>)
      %dma_wait3A_257 = arith.constant 0 : i32
      %dma_wait3A_258 = tpu.memref_slice %arg10[%add3A_26, %dma_wait3A_257] : memref<10240x128xf32, #tpu.memory_space<vmem_shared>> -> memref<128x128xf32, #tpu.memory_space<vmem_shared>>
      %dma_wait3A_259 = arith.constant 0 : i32
      %dma_wait3A_260 = tpu.memref_slice %arg10[%add3A_26, %dma_wait3A_259] : memref<10240x128xf32, #tpu.memory_space<vmem_shared>> -> memref<128x128xf32, #tpu.memory_space<vmem_shared>>
      tpu.wait_dma2 semaphore(%run_scoped3A : memref<!tpu.dma_semaphore, #tpu.memory_space<semaphore_mem>>) src(%arg8 : memref<128x128xf32, #tpu.memory_space<vmem>>) dst(%dma_wait3A_260 : memref<128x128xf32, #tpu.memory_space<vmem_shared>>)
      tpu.yield
    }) : () -> ()
    %mul3A_27 = arith.constant 640 : i32
    %mul3A_28 = arith.muli %arg1, %mul3A_27 : i32
    %add3A_29 = arith.constant 384 : i32
    %add3A_30 = arith.addi %mul3A_28, %add3A_29 : i32
    "tpu.region"() ({
      %run_scoped3A = tpu.sem_alloc : memref<!tpu.dma_semaphore, #tpu.memory_space<semaphore_mem>>
      %dma_start3A_253 = arith.constant 0 : i32
      %dma_start3A_254 = tpu.memref_slice %arg10[%add3A_30, %dma_start3A_253] : memref<10240x128xf32, #tpu.memory_space<vmem_shared>> -> memref<128x128xf32, #tpu.memory_space<vmem_shared>>
      %dma_start3A_255 = arith.constant 0 : i32
      %dma_start3A_256 = tpu.memref_slice %arg10[%add3A_30, %dma_start3A_255] : memref<10240x128xf32, #tpu.memory_space<vmem_shared>> -> memref<128x128xf32, #tpu.memory_space<vmem_shared>>
      tpu.enqueue_dma source(%arg8 : memref<128x128xf32, #tpu.memory_space<vmem>>) target(%dma_start3A_256 : memref<128x128xf32, #tpu.memory_space<vmem_shared>>) target_semaphore(%run_scoped3A : memref<!tpu.dma_semaphore, #tpu.memory_space<semaphore_mem>>)
      %dma_wait3A_257 = arith.constant 0 : i32
      %dma_wait3A_258 = tpu.memref_slice %arg10[%add3A_30, %dma_wait3A_257] : memref<10240x128xf32, #tpu.memory_space<vmem_shared>> -> memref<128x128xf32, #tpu.memory_space<vmem_shared>>
      %dma_wait3A_259 = arith.constant 0 : i32
      %dma_wait3A_260 = tpu.memref_slice %arg10[%add3A_30, %dma_wait3A_259] : memref<10240x128xf32, #tpu.memory_space<vmem_shared>> -> memref<128x128xf32, #tpu.memory_space<vmem_shared>>
      tpu.wait_dma2 semaphore(%run_scoped3A : memref<!tpu.dma_semaphore, #tpu.memory_space<semaphore_mem>>) src(%arg8 : memref<128x128xf32, #tpu.memory_space<vmem>>) dst(%dma_wait3A_260 : memref<128x128xf32, #tpu.memory_space<vmem_shared>>)
      tpu.yield
    }) : () -> ()
    %mul3A_31 = arith.constant 640 : i32
    %mul3A_32 = arith.muli %arg1, %mul3A_31 : i32
    %add3A_33 = arith.constant 512 : i32
    %add3A_34 = arith.addi %mul3A_32, %add3A_33 : i32
    "tpu.region"() ({
      %run_scoped3A = tpu.sem_alloc : memref<!tpu.dma_semaphore, #tpu.memory_space<semaphore_mem>>
      %dma_start3A_253 = arith.constant 0 : i32
      %dma_start3A_254 = tpu.memref_slice %arg10[%add3A_34, %dma_start3A_253] : memref<10240x128xf32, #tpu.memory_space<vmem_shared>> -> memref<128x128xf32, #tpu.memory_space<vmem_shared>>
      %dma_start3A_255 = arith.constant 0 : i32
      %dma_start3A_256 = tpu.memref_slice %arg10[%add3A_34, %dma_start3A_255] : memref<10240x128xf32, #tpu.memory_space<vmem_shared>> -> memref<128x128xf32, #tpu.memory_space<vmem_shared>>
      tpu.enqueue_dma source(%arg8 : memref<128x128xf32, #tpu.memory_space<vmem>>) target(%dma_start3A_256 : memref<128x128xf32, #tpu.memory_space<vmem_shared>>) target_semaphore(%run_scoped3A : memref<!tpu.dma_semaphore, #tpu.memory_space<semaphore_mem>>)
      %dma_wait3A_257 = arith.constant 0 : i32
      %dma_wait3A_258 = tpu.memref_slice %arg10[%add3A_34, %dma_wait3A_257] : memref<10240x128xf32, #tpu.memory_space<vmem_shared>> -> memref<128x128xf32, #tpu.memory_space<vmem_shared>>
      %dma_wait3A_259 = arith.constant 0 : i32
      %dma_wait3A_260 = tpu.memref_slice %arg10[%add3A_34, %dma_wait3A_259] : memref<10240x128xf32, #tpu.memory_space<vmem_shared>> -> memref<128x128xf32, #tpu.memory_space<vmem_shared>>
      tpu.wait_dma2 semaphore(%run_scoped3A : memref<!tpu.dma_semaphore, #tpu.memory_space<semaphore_mem>>) src(%arg8 : memref<128x128xf32, #tpu.memory_space<vmem>>) dst(%dma_wait3A_260 : memref<128x128xf32, #tpu.memory_space<vmem_shared>>)
      tpu.yield
    }) : () -> ()
    %barrier3A = arith.constant 0 : index
    tpu.barrier barrier_id(%barrier3A)
    %get3A = arith.constant 0 : i32
    %get3A_35 = arith.index_cast %get3A : i32 to index
    %get3A_36 = arith.constant 0 : index
    %get3A_37 = tpu.vector_load %arg5[%get3A_35, %get3A_36] {strides = array<i32>} : memref<120x128xi32, #tpu.memory_space<vmem>>, vector<1x16xi32>,
    %get3A_38 = vector.shape_cast %get3A_37 : vector<1x16xi32> to vector<16xi32>
    %shift_right_logical3A = arith.constant 14 : i32
    %shift_right_logical3A_39 = vector.broadcast %shift_right_logical3A : i32 to vector<16xi32>
    %shift_right_logical3A_40 = arith.shrui %get3A_38, %shift_right_logical3A_39 : vector<16xi32>
    %swap3A = arith.constant 0 : i32
    %swap3A_41 = arith.index_cast %swap3A : i32 to index
    %swap3A_42 = arith.constant 0 : index
    %swap3A_43 = tpu.vector_load %arg6[%swap3A_41, %swap3A_42] {strides = array<i32>} : memref<2x128xi32, #tpu.memory_space<vmem>>, vector<1x16xi32>,
    %swap3A_44 = vector.shape_cast %swap3A_43 : vector<1x16xi32> to vector<16xi32>
    %swap3A_45 = vector.shape_cast %shift_right_logical3A_40 : vector<16xi32> to vector<1x16xi32>
    tpu.vector_store %arg6[%swap3A_41, %swap3A_42], %swap3A_45 {strides = array<i32>} : memref<2x128xi32, #tpu.memory_space<vmem>>, vector<1x16xi32>,
    %and3A = arith.constant 16383 : i32
    %and3A_46 = vector.broadcast %and3A : i32 to vector<16xi32>
    %and3A_47 = arith.andi %get3A_38, %and3A_46 : vector<16xi32>
    %swap3A_48 = arith.constant 0 : i32
    %swap3A_49 = arith.index_cast %swap3A_48 : i32 to index
    %swap3A_50 = arith.constant 0 : index
    %swap3A_51 = tpu.vector_load %arg7[%swap3A_49, %swap3A_50] {strides = array<i32>} : memref<2x128xi32, #tpu.memory_space<vmem>>, vector<1x16xi32>,
    %swap3A_52 = vector.shape_cast %swap3A_51 : vector<1x16xi32> to vector<16xi32>
    %swap3A_53 = vector.shape_cast %and3A_47 : vector<16xi32> to vector<1x16xi32>
    tpu.vector_store %arg7[%swap3A_49, %swap3A_50], %swap3A_53 {strides = array<i32>} : memref<2x128xi32, #tpu.memory_space<vmem>>, vector<1x16xi32>,
    %get3A_54 = arith.constant 0 : i32
    %get3A_55 = arith.index_cast %get3A_54 : i32 to index
    %get3A_56 = arith.constant 16 : index
    %get3A_57 = tpu.vector_load %arg5[%get3A_55, %get3A_56] {strides = array<i32>} : memref<120x128xi32, #tpu.memory_space<vmem>>, vector<1x16xi32>,
    %get3A_58 = vector.shape_cast %get3A_57 : vector<1x16xi32> to vector<16xi32>
    %shift_right_logical3A_59 = arith.constant 14 : i32
    %shift_right_logical3A_60 = vector.broadcast %shift_right_logical3A_59 : i32 to vector<16xi32>
    %shift_right_logical3A_61 = arith.shrui %get3A_58, %shift_right_logical3A_60 : vector<16xi32>
    %swap3A_62 = arith.constant 0 : i32
    %swap3A_63 = arith.index_cast %swap3A_62 : i32 to index
    %swap3A_64 = arith.constant 16 : index
    %swap3A_65 = tpu.vector_load %arg6[%swap3A_63, %swap3A_64] {strides = array<i32>} : memref<2x128xi32, #tpu.memory_space<vmem>>, vector<1x16xi32>,
    %swap3A_66 = vector.shape_cast %swap3A_65 : vector<1x16xi32> to vector<16xi32>
    %swap3A_67 = vector.shape_cast %shift_right_logical3A_61 : vector<16xi32> to vector<1x16xi32>
    tpu.vector_store %arg6[%swap3A_63, %swap3A_64], %swap3A_67 {strides = array<i32>} : memref<2x128xi32, #tpu.memory_space<vmem>>, vector<1x16xi32>,
    %and3A_68 = arith.constant 16383 : i32
    %and3A_69 = vector.broadcast %and3A_68 : i32 to vector<16xi32>
    %and3A_70 = arith.andi %get3A_58, %and3A_69 : vector<16xi32>
    %swap3A_71 = arith.constant 0 : i32
    %swap3A_72 = arith.index_cast %swap3A_71 : i32 to index
    %swap3A_73 = arith.constant 16 : index
    %swap3A_74 = tpu.vector_load %arg7[%swap3A_72, %swap3A_73] {strides = array<i32>} : memref<2x128xi32, #tpu.memory_space<vmem>>, vector<1x16xi32>,
    %swap3A_75 = vector.shape_cast %swap3A_74 : vector<1x16xi32> to vector<16xi32>
    %swap3A_76 = vector.shape_cast %and3A_70 : vector<16xi32> to vector<1x16xi32>
    tpu.vector_store %arg7[%swap3A_72, %swap3A_73], %swap3A_76 {strides = array<i32>} : memref<2x128xi32, #tpu.memory_space<vmem>>, vector<1x16xi32>,
    %get3A_77 = arith.constant 0 : i32
    %get3A_78 = arith.index_cast %get3A_77 : i32 to index
    %get3A_79 = arith.constant 32 : index
    %get3A_80 = tpu.vector_load %arg5[%get3A_78, %get3A_79] {strides = array<i32>} : memref<120x128xi32, #tpu.memory_space<vmem>>, vector<1x16xi32>,
    %get3A_81 = vector.shape_cast %get3A_80 : vector<1x16xi32> to vector<16xi32>
    %shift_right_logical3A_82 = arith.constant 14 : i32
    %shift_right_logical3A_83 = vector.broadcast %shift_right_logical3A_82 : i32 to vector<16xi32>
    %shift_right_logical3A_84 = arith.shrui %get3A_81, %shift_right_logical3A_83 : vector<16xi32>
    %swap3A_85 = arith.constant 0 : i32
    %swap3A_86 = arith.index_cast %swap3A_85 : i32 to index
    %swap3A_87 = arith.constant 32 : index
    %swap3A_88 = tpu.vector_load %arg6[%swap3A_86, %swap3A_87] {strides = array<i32>} : memref<2x128xi32, #tpu.memory_space<vmem>>, vector<1x16xi32>,
    %swap3A_89 = vector.shape_cast %swap3A_88 : vector<1x16xi32> to vector<16xi32>
    %swap3A_90 = vector.shape_cast %shift_right_logical3A_84 : vector<16xi32> to vector<1x16xi32>
    tpu.vector_store %arg6[%swap3A_86, %swap3A_87], %swap3A_90 {strides = array<i32>} : memref<2x128xi32, #tpu.memory_space<vmem>>, vector<1x16xi32>,
    %and3A_91 = arith.constant 16383 : i32
    %and3A_92 = vector.broadcast %and3A_91 : i32 to vector<16xi32>
    %and3A_93 = arith.andi %get3A_81, %and3A_92 : vector<16xi32>
    %swap3A_94 = arith.constant 0 : i32
    %swap3A_95 = arith.index_cast %swap3A_94 : i32 to index
    %swap3A_96 = arith.constant 32 : index
    %swap3A_97 = tpu.vector_load %arg7[%swap3A_95, %swap3A_96] {strides = array<i32>} : memref<2x128xi32, #tpu.memory_space<vmem>>, vector<1x16xi32>,
    %swap3A_98 = vector.shape_cast %swap3A_97 : vector<1x16xi32> to vector<16xi32>
    %swap3A_99 = vector.shape_cast %and3A_93 : vector<16xi32> to vector<1x16xi32>
    tpu.vector_store %arg7[%swap3A_95, %swap3A_96], %swap3A_99 {strides = array<i32>} : memref<2x128xi32, #tpu.memory_space<vmem>>, vector<1x16xi32>,
    %get3A_100 = arith.constant 0 : i32
    %get3A_101 = arith.index_cast %get3A_100 : i32 to index
    %get3A_102 = arith.constant 48 : index
    %get3A_103 = tpu.vector_load %arg5[%get3A_101, %get3A_102] {strides = array<i32>} : memref<120x128xi32, #tpu.memory_space<vmem>>, vector<1x16xi32>,
    %get3A_104 = vector.shape_cast %get3A_103 : vector<1x16xi32> to vector<16xi32>
    %shift_right_logical3A_105 = arith.constant 14 : i32
    %shift_right_logical3A_106 = vector.broadcast %shift_right_logical3A_105 : i32 to vector<16xi32>
    %shift_right_logical3A_107 = arith.shrui %get3A_104, %shift_right_logical3A_106 : vector<16xi32>
    %swap3A_108 = arith.constant 0 : i32
    %swap3A_109 = arith.index_cast %swap3A_108 : i32 to index
    %swap3A_110 = arith.constant 48 : index
    %swap3A_111 = tpu.vector_load %arg6[%swap3A_109, %swap3A_110] {strides = array<i32>} : memref<2x128xi32, #tpu.memory_space<vmem>>, vector<1x16xi32>,
    %swap3A_112 = vector.shape_cast %swap3A_111 : vector<1x16xi32> to vector<16xi32>
    %swap3A_113 = vector.shape_cast %shift_right_logical3A_107 : vector<16xi32> to vector<1x16xi32>
    tpu.vector_store %arg6[%swap3A_109, %swap3A_110], %swap3A_113 {strides = array<i32>} : memref<2x128xi32, #tpu.memory_space<vmem>>, vector<1x16xi32>,
    %and3A_114 = arith.constant 16383 : i32
    %and3A_115 = vector.broadcast %and3A_114 : i32 to vector<16xi32>
    %and3A_116 = arith.andi %get3A_104, %and3A_115 : vector<16xi32>
    %swap3A_117 = arith.constant 0 : i32
    %swap3A_118 = arith.index_cast %swap3A_117 : i32 to index
    %swap3A_119 = arith.constant 48 : index
    %swap3A_120 = tpu.vector_load %arg7[%swap3A_118, %swap3A_119] {strides = array<i32>} : memref<2x128xi32, #tpu.memory_space<vmem>>, vector<1x16xi32>,
    %swap3A_121 = vector.shape_cast %swap3A_120 : vector<1x16xi32> to vector<16xi32>
    %swap3A_122 = vector.shape_cast %and3A_116 : vector<16xi32> to vector<1x16xi32>
    tpu.vector_store %arg7[%swap3A_118, %swap3A_119], %swap3A_122 {strides = array<i32>} : memref<2x128xi32, #tpu.memory_space<vmem>>, vector<1x16xi32>,
    %get3A_123 = arith.constant 0 : i32
    %get3A_124 = arith.index_cast %get3A_123 : i32 to index
    %get3A_125 = arith.constant 64 : index
    %get3A_126 = tpu.vector_load %arg5[%get3A_124, %get3A_125] {strides = array<i32>} : memref<120x128xi32, #tpu.memory_space<vmem>>, vector<1x16xi32>,
    %get3A_127 = vector.shape_cast %get3A_126 : vector<1x16xi32> to vector<16xi32>
    %shift_right_logical3A_128 = arith.constant 14 : i32
    %shift_right_logical3A_129 = vector.broadcast %shift_right_logical3A_128 : i32 to vector<16xi32>
    %shift_right_logical3A_130 = arith.shrui %get3A_127, %shift_right_logical3A_129 : vector<16xi32>
    %swap3A_131 = arith.constant 0 : i32
    %swap3A_132 = arith.index_cast %swap3A_131 : i32 to index
    %swap3A_133 = arith.constant 64 : index
    %swap3A_134 = tpu.vector_load %arg6[%swap3A_132, %swap3A_133] {strides = array<i32>} : memref<2x128xi32, #tpu.memory_space<vmem>>, vector<1x16xi32>,
    %swap3A_135 = vector.shape_cast %swap3A_134 : vector<1x16xi32> to vector<16xi32>
    %swap3A_136 = vector.shape_cast %shift_right_logical3A_130 : vector<16xi32> to vector<1x16xi32>
    tpu.vector_store %arg6[%swap3A_132, %swap3A_133], %swap3A_136 {strides = array<i32>} : memref<2x128xi32, #tpu.memory_space<vmem>>, vector<1x16xi32>,
    %and3A_137 = arith.constant 16383 : i32
    %and3A_138 = vector.broadcast %and3A_137 : i32 to vector<16xi32>
    %and3A_139 = arith.andi %get3A_127, %and3A_138 : vector<16xi32>
    %swap3A_140 = arith.constant 0 : i32
    %swap3A_141 = arith.index_cast %swap3A_140 : i32 to index
    %swap3A_142 = arith.constant 64 : index
    %swap3A_143 = tpu.vector_load %arg7[%swap3A_141, %swap3A_142] {strides = array<i32>} : memref<2x128xi32, #tpu.memory_space<vmem>>, vector<1x16xi32>,
    %swap3A_144 = vector.shape_cast %swap3A_143 : vector<1x16xi32> to vector<16xi32>
    %swap3A_145 = vector.shape_cast %and3A_139 : vector<16xi32> to vector<1x16xi32>
    tpu.vector_store %arg7[%swap3A_141, %swap3A_142], %swap3A_145 {strides = array<i32>} : memref<2x128xi32, #tpu.memory_space<vmem>>, vector<1x16xi32>,
    %get3A_146 = arith.constant 0 : i32
    %get3A_147 = arith.index_cast %get3A_146 : i32 to index
    %get3A_148 = arith.constant 80 : index
    %get3A_149 = tpu.vector_load %arg5[%get3A_147, %get3A_148] {strides = array<i32>} : memref<120x128xi32, #tpu.memory_space<vmem>>, vector<1x16xi32>,
    %get3A_150 = vector.shape_cast %get3A_149 : vector<1x16xi32> to vector<16xi32>
    %shift_right_logical3A_151 = arith.constant 14 : i32
    %shift_right_logical3A_152 = vector.broadcast %shift_right_logical3A_151 : i32 to vector<16xi32>
    %shift_right_logical3A_153 = arith.shrui %get3A_150, %shift_right_logical3A_152 : vector<16xi32>
    %swap3A_154 = arith.constant 0 : i32
    %swap3A_155 = arith.index_cast %swap3A_154 : i32 to index
    %swap3A_156 = arith.constant 80 : index
    %swap3A_157 = tpu.vector_load %arg6[%swap3A_155, %swap3A_156] {strides = array<i32>} : memref<2x128xi32, #tpu.memory_space<vmem>>, vector<1x16xi32>,
    %swap3A_158 = vector.shape_cast %swap3A_157 : vector<1x16xi32> to vector<16xi32>
    %swap3A_159 = vector.shape_cast %shift_right_logical3A_153 : vector<16xi32> to vector<1x16xi32>
    tpu.vector_store %arg6[%swap3A_155, %swap3A_156], %swap3A_159 {strides = array<i32>} : memref<2x128xi32, #tpu.memory_space<vmem>>, vector<1x16xi32>,
    %and3A_160 = arith.constant 16383 : i32
    %and3A_161 = vector.broadcast %and3A_160 : i32 to vector<16xi32>
    %and3A_162 = arith.andi %get3A_150, %and3A_161 : vector<16xi32>
    %swap3A_163 = arith.constant 0 : i32
    %swap3A_164 = arith.index_cast %swap3A_163 : i32 to index
    %swap3A_165 = arith.constant 80 : index
    %swap3A_166 = tpu.vector_load %arg7[%swap3A_164, %swap3A_165] {strides = array<i32>} : memref<2x128xi32, #tpu.memory_space<vmem>>, vector<1x16xi32>,
    %swap3A_167 = vector.shape_cast %swap3A_166 : vector<1x16xi32> to vector<16xi32>
    %swap3A_168 = vector.shape_cast %and3A_162 : vector<16xi32> to vector<1x16xi32>
    tpu.vector_store %arg7[%swap3A_164, %swap3A_165], %swap3A_168 {strides = array<i32>} : memref<2x128xi32, #tpu.memory_space<vmem>>, vector<1x16xi32>,
    %get3A_169 = arith.constant 0 : i32
    %get3A_170 = arith.index_cast %get3A_169 : i32 to index
    %get3A_171 = arith.constant 96 : index
    %get3A_172 = tpu.vector_load %arg5[%get3A_170, %get3A_171] {strides = array<i32>} : memref<120x128xi32, #tpu.memory_space<vmem>>, vector<1x16xi32>,
    %get3A_173 = vector.shape_cast %get3A_172 : vector<1x16xi32> to vector<16xi32>
    %shift_right_logical3A_174 = arith.constant 14 : i32
    %shift_right_logical3A_175 = vector.broadcast %shift_right_logical3A_174 : i32 to vector<16xi32>
    %shift_right_logical3A_176 = arith.shrui %get3A_173, %shift_right_logical3A_175 : vector<16xi32>
    %swap3A_177 = arith.constant 0 : i32
    %swap3A_178 = arith.index_cast %swap3A_177 : i32 to index
    %swap3A_179 = arith.constant 96 : index
    %swap3A_180 = tpu.vector_load %arg6[%swap3A_178, %swap3A_179] {strides = array<i32>} : memref<2x128xi32, #tpu.memory_space<vmem>>, vector<1x16xi32>,
    %swap3A_181 = vector.shape_cast %swap3A_180 : vector<1x16xi32> to vector<16xi32>
    %swap3A_182 = vector.shape_cast %shift_right_logical3A_176 : vector<16xi32> to vector<1x16xi32>
    tpu.vector_store %arg6[%swap3A_178, %swap3A_179], %swap3A_182 {strides = array<i32>} : memref<2x128xi32, #tpu.memory_space<vmem>>, vector<1x16xi32>,
    %and3A_183 = arith.constant 16383 : i32
    %and3A_184 = vector.broadcast %and3A_183 : i32 to vector<16xi32>
    %and3A_185 = arith.andi %get3A_173, %and3A_184 : vector<16xi32>
    %swap3A_186 = arith.constant 0 : i32
    %swap3A_187 = arith.index_cast %swap3A_186 : i32 to index
    %swap3A_188 = arith.constant 96 : index
    %swap3A_189 = tpu.vector_load %arg7[%swap3A_187, %swap3A_188] {strides = array<i32>} : memref<2x128xi32, #tpu.memory_space<vmem>>, vector<1x16xi32>,
    %swap3A_190 = vector.shape_cast %swap3A_189 : vector<1x16xi32> to vector<16xi32>
    %swap3A_191 = vector.shape_cast %and3A_185 : vector<16xi32> to vector<1x16xi32>
    tpu.vector_store %arg7[%swap3A_187, %swap3A_188], %swap3A_191 {strides = array<i32>} : memref<2x128xi32, #tpu.memory_space<vmem>>, vector<1x16xi32>,
    %get3A_192 = arith.constant 0 : i32
    %get3A_193 = arith.index_cast %get3A_192 : i32 to index
    %get3A_194 = arith.constant 112 : index
    %get3A_195 = tpu.vector_load %arg5[%get3A_193, %get3A_194] {strides = array<i32>} : memref<120x128xi32, #tpu.memory_space<vmem>>, vector<1x16xi32>,
    %get3A_196 = vector.shape_cast %get3A_195 : vector<1x16xi32> to vector<16xi32>
    %shift_right_logical3A_197 = arith.constant 14 : i32
    %shift_right_logical3A_198 = vector.broadcast %shift_right_logical3A_197 : i32 to vector<16xi32>
    %shift_right_logical3A_199 = arith.shrui %get3A_196, %shift_right_logical3A_198 : vector<16xi32>
    %swap3A_200 = arith.constant 0 : i32
    %swap3A_201 = arith.index_cast %swap3A_200 : i32 to index
    %swap3A_202 = arith.constant 112 : index
    %swap3A_203 = tpu.vector_load %arg6[%swap3A_201, %swap3A_202] {strides = array<i32>} : memref<2x128xi32, #tpu.memory_space<vmem>>, vector<1x16xi32>,
    %swap3A_204 = vector.shape_cast %swap3A_203 : vector<1x16xi32> to vector<16xi32>
    %swap3A_205 = vector.shape_cast %shift_right_logical3A_199 : vector<16xi32> to vector<1x16xi32>
    tpu.vector_store %arg6[%swap3A_201, %swap3A_202], %swap3A_205 {strides = array<i32>} : memref<2x128xi32, #tpu.memory_space<vmem>>, vector<1x16xi32>,
    %and3A_206 = arith.constant 16383 : i32
    %and3A_207 = vector.broadcast %and3A_206 : i32 to vector<16xi32>
    %and3A_208 = arith.andi %get3A_196, %and3A_207 : vector<16xi32>
    %swap3A_209 = arith.constant 0 : i32
    %swap3A_210 = arith.index_cast %swap3A_209 : i32 to index
    %swap3A_211 = arith.constant 112 : index
    %swap3A_212 = tpu.vector_load %arg7[%swap3A_210, %swap3A_211] {strides = array<i32>} : memref<2x128xi32, #tpu.memory_space<vmem>>, vector<1x16xi32>,
    %swap3A_213 = vector.shape_cast %swap3A_212 : vector<1x16xi32> to vector<16xi32>
    %swap3A_214 = vector.shape_cast %and3A_208 : vector<16xi32> to vector<1x16xi32>
    tpu.vector_store %arg7[%swap3A_210, %swap3A_211], %swap3A_214 {strides = array<i32>} : memref<2x128xi32, #tpu.memory_space<vmem>>, vector<1x16xi32>,
    %dma_start3A = arith.constant 0 : i32
    %dma_start3A_215 = arith.constant 0 : i32
    %dma_start3A_216 = tpu.memref_slice %arg6[%dma_start3A, %dma_start3A_215] : memref<2x128xi32, #tpu.memory_space<vmem>> -> memref<1x128xi32, #tpu.memory_space<vmem>>
    %dma_start3A_217 = tpu.memref_squeeze %dma_start3A_216 : memref<1x128xi32, #tpu.memory_space<vmem>> -> memref<128xi32, #tpu.memory_space<vmem>>
    %dma_start3A_218 = arith.constant 0 : i32
    %dma_start3A_219 = arith.constant 0 : i32
    %dma_start3A_220 = tpu.memref_slice %arg2[%dma_start3A_218, %dma_start3A_219] : memref<10240x128xf32, #tpu.memory_space<hbm>> -> memref<10240x128xf32, #tpu.memory_space<hbm>>
    tpu.enqueue_indirect_dma source(%dma_start3A_220 : memref<10240x128xf32, #tpu.memory_space<hbm>>) target(%arg8 : memref<128x128xf32, #tpu.memory_space<vmem>>) offsets(%dma_start3A_217 : memref<128xi32, #tpu.memory_space<vmem>>) semaphore(%arg11 : memref<!tpu.dma_semaphore, #tpu.memory_space<semaphore_mem>>)
    %eq3A_221 = arith.constant 0 : i32
    %eq3A_222 = arith.cmpi eq, %arg0, %eq3A_221 : i32
    %select_n3A_223 = arith.constant 20 : i32
    %select_n3A_224 = arith.constant 60 : i32
    %select_n3A_225 = arith.select %eq3A_222, %select_n3A_224, %select_n3A_223 : i32
    %while3A = arith.constant 0 : i32
    %while3A_226 = arith.constant 0 : i32
    %while3A_227 = arith.subi %select_n3A_225, %while3A_226 : i32
    %while3A_228 = arith.addi %while3A_226, %while3A_227 : i32
    %while3A_229 = arith.constant 1 : i32
    %while3A_230 = arith.divsi %while3A_227, %while3A_229 : i32
    %while3A_231 = arith.muli %while3A_230, %while3A_229 : i32
    %while3A_232 = arith.addi %while3A_226, %while3A_231 : i32
    %while3A_233 = arith.constant 1 : i32
    scf.for %while3A_253 = %while3A_226 to %while3A_232 step %while3A_233  : i32 {
      %mul3A_254 = arith.constant 2 : i32
      %mul3A_255 = arith.muli %mul3A_254, %while3A_253 : i32
      %add3A_256 = arith.constant 0 : i32
      %add3A_257 = arith.addi %mul3A_255, %add3A_256 : i32
      %dma_wait3A_258 = arith.constant 0 : i32
      %dma_wait3A_259 = arith.constant 0 : i32
      %dma_wait3A_260 = tpu.memref_slice %arg6[%dma_wait3A_258, %dma_wait3A_259] : memref<2x128xi32, #tpu.memory_space<vmem>> -> memref<1x128xi32, #tpu.memory_space<vmem>>
      %dma_wait3A_261 = tpu.memref_squeeze %dma_wait3A_260 : memref<1x128xi32, #tpu.memory_space<vmem>> -> memref<128xi32, #tpu.memory_space<vmem>>
      %dma_wait3A_262 = arith.constant 0 : i32
      %dma_wait3A_263 = arith.constant 0 : i32
      %dma_wait3A_264 = tpu.memref_slice %arg2[%dma_wait3A_262, %dma_wait3A_263] : memref<10240x128xf32, #tpu.memory_space<hbm>> -> memref<10240x128xf32, #tpu.memory_space<hbm>>
      tpu.wait_indirect_dma semaphore(%arg11 : memref<!tpu.dma_semaphore, #tpu.memory_space<semaphore_mem>>) src(%dma_wait3A_264 : memref<10240x128xf32, #tpu.memory_space<hbm>>) dst(%arg8 : memref<128x128xf32, #tpu.memory_space<vmem>>)
      %dma_start3A_265 = arith.constant 0 : i32
      %dma_start3A_266 = arith.constant 0 : i32
      %dma_start3A_267 = tpu.memref_slice %arg7[%dma_start3A_265, %dma_start3A_266] : memref<2x128xi32, #tpu.memory_space<vmem>> -> memref<1x128xi32, #tpu.memory_space<vmem>>
      %dma_start3A_268 = tpu.memref_squeeze %dma_start3A_267 : memref<1x128xi32, #tpu.memory_space<vmem>> -> memref<128xi32, #tpu.memory_space<vmem>>
      %dma_start3A_269 = arith.constant 0 : i32
      %dma_start3A_270 = arith.constant 0 : i32
      %dma_start3A_271 = tpu.memref_slice %arg10[%dma_start3A_269, %dma_start3A_270] : memref<10240x128xf32, #tpu.memory_space<vmem_shared>> -> memref<10240x128xf32, #tpu.memory_space<vmem_shared>>
      tpu.enqueue_indirect_dma source(%arg8 : memref<128x128xf32, #tpu.memory_space<vmem>>) target(%dma_start3A_271 : memref<10240x128xf32, #tpu.memory_space<vmem_shared>>) offsets(%dma_start3A_268 : memref<128xi32, #tpu.memory_space<vmem>>) semaphore(%arg13 : memref<!tpu.dma_semaphore, #tpu.memory_space<semaphore_mem>>) {add = true}
      %add3A_272 = arith.constant 1 : i32
      %add3A_273 = arith.addi %add3A_257, %add3A_272 : i32
      %lt3A = arith.cmpi slt, %add3A_273, %select_n3A_10 : i32
      %convert_element_type3A_274 = arith.extui %lt3A : i1 to i32
      %cond3A_275 = arith.constant 0 : i32
      %cond3A_276 = arith.cmpi ne, %convert_element_type3A_274, %cond3A_275 : i32
      scf.if %cond3A_276 {
        %add3A_301 = arith.constant 1 : i32
        %add3A_302 = arith.addi %add3A_257, %add3A_301 : i32
        %get3A_303 = arith.index_cast %add3A_302 : i32 to index
        %get3A_304 = arith.constant 0 : index
        %get3A_305 = tpu.vector_load %arg5[%get3A_303, %get3A_304] {strides = array<i32>} : memref<120x128xi32, #tpu.memory_space<vmem>>, vector<1x16xi32>,
        %get3A_306 = vector.shape_cast %get3A_305 : vector<1x16xi32> to vector<16xi32>
        %shift_right_logical3A_307 = arith.constant 14 : i32
        %shift_right_logical3A_308 = vector.broadcast %shift_right_logical3A_307 : i32 to vector<16xi32>
        %shift_right_logical3A_309 = arith.shrui %get3A_306, %shift_right_logical3A_308 : vector<16xi32>
        %swap3A_310 = arith.constant 1 : i32
        %swap3A_311 = arith.index_cast %swap3A_310 : i32 to index
        %swap3A_312 = arith.constant 0 : index
        %swap3A_313 = tpu.vector_load %arg6[%swap3A_311, %swap3A_312] {strides = array<i32>} : memref<2x128xi32, #tpu.memory_space<vmem>>, vector<1x16xi32>,
        %swap3A_314 = vector.shape_cast %swap3A_313 : vector<1x16xi32> to vector<16xi32>
        %swap3A_315 = vector.shape_cast %shift_right_logical3A_309 : vector<16xi32> to vector<1x16xi32>
        tpu.vector_store %arg6[%swap3A_311, %swap3A_312], %swap3A_315 {strides = array<i32>} : memref<2x128xi32, #tpu.memory_space<vmem>>, vector<1x16xi32>,
        %and3A_316 = arith.constant 16383 : i32
        %and3A_317 = vector.broadcast %and3A_316 : i32 to vector<16xi32>
        %and3A_318 = arith.andi %get3A_306, %and3A_317 : vector<16xi32>
        %swap3A_319 = arith.constant 1 : i32
        %swap3A_320 = arith.index_cast %swap3A_319 : i32 to index
        %swap3A_321 = arith.constant 0 : index
        %swap3A_322 = tpu.vector_load %arg7[%swap3A_320, %swap3A_321] {strides = array<i32>} : memref<2x128xi32, #tpu.memory_space<vmem>>, vector<1x16xi32>,
        %swap3A_323 = vector.shape_cast %swap3A_322 : vector<1x16xi32> to vector<16xi32>
        %swap3A_324 = vector.shape_cast %and3A_318 : vector<16xi32> to vector<1x16xi32>
        tpu.vector_store %arg7[%swap3A_320, %swap3A_321], %swap3A_324 {strides = array<i32>} : memref<2x128xi32, #tpu.memory_space<vmem>>, vector<1x16xi32>,
        %get3A_325 = arith.index_cast %add3A_302 : i32 to index
        %get3A_326 = arith.constant 16 : index
        %get3A_327 = tpu.vector_load %arg5[%get3A_325, %get3A_326] {strides = array<i32>} : memref<120x128xi32, #tpu.memory_space<vmem>>, vector<1x16xi32>,
        %get3A_328 = vector.shape_cast %get3A_327 : vector<1x16xi32> to vector<16xi32>
        %shift_right_logical3A_329 = arith.constant 14 : i32
        %shift_right_logical3A_330 = vector.broadcast %shift_right_logical3A_329 : i32 to vector<16xi32>
        %shift_right_logical3A_331 = arith.shrui %get3A_328, %shift_right_logical3A_330 : vector<16xi32>
        %swap3A_332 = arith.constant 1 : i32
        %swap3A_333 = arith.index_cast %swap3A_332 : i32 to index
        %swap3A_334 = arith.constant 16 : index
        %swap3A_335 = tpu.vector_load %arg6[%swap3A_333, %swap3A_334] {strides = array<i32>} : memref<2x128xi32, #tpu.memory_space<vmem>>, vector<1x16xi32>,
        %swap3A_336 = vector.shape_cast %swap3A_335 : vector<1x16xi32> to vector<16xi32>
        %swap3A_337 = vector.shape_cast %shift_right_logical3A_331 : vector<16xi32> to vector<1x16xi32>
        tpu.vector_store %arg6[%swap3A_333, %swap3A_334], %swap3A_337 {strides = array<i32>} : memref<2x128xi32, #tpu.memory_space<vmem>>, vector<1x16xi32>,
        %and3A_338 = arith.constant 16383 : i32
        %and3A_339 = vector.broadcast %and3A_338 : i32 to vector<16xi32>
        %and3A_340 = arith.andi %get3A_328, %and3A_339 : vector<16xi32>
        %swap3A_341 = arith.constant 1 : i32
        %swap3A_342 = arith.index_cast %swap3A_341 : i32 to index
        %swap3A_343 = arith.constant 16 : index
        %swap3A_344 = tpu.vector_load %arg7[%swap3A_342, %swap3A_343] {strides = array<i32>} : memref<2x128xi32, #tpu.memory_space<vmem>>, vector<1x16xi32>,
        %swap3A_345 = vector.shape_cast %swap3A_344 : vector<1x16xi32> to vector<16xi32>
        %swap3A_346 = vector.shape_cast %and3A_340 : vector<16xi32> to vector<1x16xi32>
        tpu.vector_store %arg7[%swap3A_342, %swap3A_343], %swap3A_346 {strides = array<i32>} : memref<2x128xi32, #tpu.memory_space<vmem>>, vector<1x16xi32>,
        %get3A_347 = arith.index_cast %add3A_302 : i32 to index
        %get3A_348 = arith.constant 32 : index
        %get3A_349 = tpu.vector_load %arg5[%get3A_347, %get3A_348] {strides = array<i32>} : memref<120x128xi32, #tpu.memory_space<vmem>>, vector<1x16xi32>,
        %get3A_350 = vector.shape_cast %get3A_349 : vector<1x16xi32> to vector<16xi32>
        %shift_right_logical3A_351 = arith.constant 14 : i32
        %shift_right_logical3A_352 = vector.broadcast %shift_right_logical3A_351 : i32 to vector<16xi32>
        %shift_right_logical3A_353 = arith.shrui %get3A_350, %shift_right_logical3A_352 : vector<16xi32>
        %swap3A_354 = arith.constant 1 : i32
        %swap3A_355 = arith.index_cast %swap3A_354 : i32 to index
        %swap3A_356 = arith.constant 32 : index
        %swap3A_357 = tpu.vector_load %arg6[%swap3A_355, %swap3A_356] {strides = array<i32>} : memref<2x128xi32, #tpu.memory_space<vmem>>, vector<1x16xi32>,
        %swap3A_358 = vector.shape_cast %swap3A_357 : vector<1x16xi32> to vector<16xi32>
        %swap3A_359 = vector.shape_cast %shift_right_logical3A_353 : vector<16xi32> to vector<1x16xi32>
        tpu.vector_store %arg6[%swap3A_355, %swap3A_356], %swap3A_359 {strides = array<i32>} : memref<2x128xi32, #tpu.memory_space<vmem>>, vector<1x16xi32>,
        %and3A_360 = arith.constant 16383 : i32
        %and3A_361 = vector.broadcast %and3A_360 : i32 to vector<16xi32>
        %and3A_362 = arith.andi %get3A_350, %and3A_361 : vector<16xi32>
        %swap3A_363 = arith.constant 1 : i32
        %swap3A_364 = arith.index_cast %swap3A_363 : i32 to index
        %swap3A_365 = arith.constant 32 : index
        %swap3A_366 = tpu.vector_load %arg7[%swap3A_364, %swap3A_365] {strides = array<i32>} : memref<2x128xi32, #tpu.memory_space<vmem>>, vector<1x16xi32>,
        %swap3A_367 = vector.shape_cast %swap3A_366 : vector<1x16xi32> to vector<16xi32>
        %swap3A_368 = vector.shape_cast %and3A_362 : vector<16xi32> to vector<1x16xi32>
        tpu.vector_store %arg7[%swap3A_364, %swap3A_365], %swap3A_368 {strides = array<i32>} : memref<2x128xi32, #tpu.memory_space<vmem>>, vector<1x16xi32>,
        %get3A_369 = arith.index_cast %add3A_302 : i32 to index
        %get3A_370 = arith.constant 48 : index
        %get3A_371 = tpu.vector_load %arg5[%get3A_369, %get3A_370] {strides = array<i32>} : memref<120x128xi32, #tpu.memory_space<vmem>>, vector<1x16xi32>,
        %get3A_372 = vector.shape_cast %get3A_371 : vector<1x16xi32> to vector<16xi32>
        %shift_right_logical3A_373 = arith.constant 14 : i32
        %shift_right_logical3A_374 = vector.broadcast %shift_right_logical3A_373 : i32 to vector<16xi32>
        %shift_right_logical3A_375 = arith.shrui %get3A_372, %shift_right_logical3A_374 : vector<16xi32>
        %swap3A_376 = arith.constant 1 : i32
        %swap3A_377 = arith.index_cast %swap3A_376 : i32 to index
        %swap3A_378 = arith.constant 48 : index
        %swap3A_379 = tpu.vector_load %arg6[%swap3A_377, %swap3A_378] {strides = array<i32>} : memref<2x128xi32, #tpu.memory_space<vmem>>, vector<1x16xi32>,
        %swap3A_380 = vector.shape_cast %swap3A_379 : vector<1x16xi32> to vector<16xi32>
        %swap3A_381 = vector.shape_cast %shift_right_logical3A_375 : vector<16xi32> to vector<1x16xi32>
        tpu.vector_store %arg6[%swap3A_377, %swap3A_378], %swap3A_381 {strides = array<i32>} : memref<2x128xi32, #tpu.memory_space<vmem>>, vector<1x16xi32>,
        %and3A_382 = arith.constant 16383 : i32
        %and3A_383 = vector.broadcast %and3A_382 : i32 to vector<16xi32>
        %and3A_384 = arith.andi %get3A_372, %and3A_383 : vector<16xi32>
        %swap3A_385 = arith.constant 1 : i32
        %swap3A_386 = arith.index_cast %swap3A_385 : i32 to index
        %swap3A_387 = arith.constant 48 : index
        %swap3A_388 = tpu.vector_load %arg7[%swap3A_386, %swap3A_387] {strides = array<i32>} : memref<2x128xi32, #tpu.memory_space<vmem>>, vector<1x16xi32>,
        %swap3A_389 = vector.shape_cast %swap3A_388 : vector<1x16xi32> to vector<16xi32>
        %swap3A_390 = vector.shape_cast %and3A_384 : vector<16xi32> to vector<1x16xi32>
        tpu.vector_store %arg7[%swap3A_386, %swap3A_387], %swap3A_390 {strides = array<i32>} : memref<2x128xi32, #tpu.memory_space<vmem>>, vector<1x16xi32>,
        %get3A_391 = arith.index_cast %add3A_302 : i32 to index
        %get3A_392 = arith.constant 64 : index
        %get3A_393 = tpu.vector_load %arg5[%get3A_391, %get3A_392] {strides = array<i32>} : memref<120x128xi32, #tpu.memory_space<vmem>>, vector<1x16xi32>,
        %get3A_394 = vector.shape_cast %get3A_393 : vector<1x16xi32> to vector<16xi32>
        %shift_right_logical3A_395 = arith.constant 14 : i32
        %shift_right_logical3A_396 = vector.broadcast %shift_right_logical3A_395 : i32 to vector<16xi32>
        %shift_right_logical3A_397 = arith.shrui %get3A_394, %shift_right_logical3A_396 : vector<16xi32>
        %swap3A_398 = arith.constant 1 : i32
        %swap3A_399 = arith.index_cast %swap3A_398 : i32 to index
        %swap3A_400 = arith.constant 64 : index
        %swap3A_401 = tpu.vector_load %arg6[%swap3A_399, %swap3A_400] {strides = array<i32>} : memref<2x128xi32, #tpu.memory_space<vmem>>, vector<1x16xi32>,
        %swap3A_402 = vector.shape_cast %swap3A_401 : vector<1x16xi32> to vector<16xi32>
        %swap3A_403 = vector.shape_cast %shift_right_logical3A_397 : vector<16xi32> to vector<1x16xi32>
        tpu.vector_store %arg6[%swap3A_399, %swap3A_400], %swap3A_403 {strides = array<i32>} : memref<2x128xi32, #tpu.memory_space<vmem>>, vector<1x16xi32>,
        %and3A_404 = arith.constant 16383 : i32
        %and3A_405 = vector.broadcast %and3A_404 : i32 to vector<16xi32>
        %and3A_406 = arith.andi %get3A_394, %and3A_405 : vector<16xi32>
        %swap3A_407 = arith.constant 1 : i32
        %swap3A_408 = arith.index_cast %swap3A_407 : i32 to index
        %swap3A_409 = arith.constant 64 : index
        %swap3A_410 = tpu.vector_load %arg7[%swap3A_408, %swap3A_409] {strides = array<i32>} : memref<2x128xi32, #tpu.memory_space<vmem>>, vector<1x16xi32>,
        %swap3A_411 = vector.shape_cast %swap3A_410 : vector<1x16xi32> to vector<16xi32>
        %swap3A_412 = vector.shape_cast %and3A_406 : vector<16xi32> to vector<1x16xi32>
        tpu.vector_store %arg7[%swap3A_408, %swap3A_409], %swap3A_412 {strides = array<i32>} : memref<2x128xi32, #tpu.memory_space<vmem>>, vector<1x16xi32>,
        %get3A_413 = arith.index_cast %add3A_302 : i32 to index
        %get3A_414 = arith.constant 80 : index
        %get3A_415 = tpu.vector_load %arg5[%get3A_413, %get3A_414] {strides = array<i32>} : memref<120x128xi32, #tpu.memory_space<vmem>>, vector<1x16xi32>,
        %get3A_416 = vector.shape_cast %get3A_415 : vector<1x16xi32> to vector<16xi32>
        %shift_right_logical3A_417 = arith.constant 14 : i32
        %shift_right_logical3A_418 = vector.broadcast %shift_right_logical3A_417 : i32 to vector<16xi32>
        %shift_right_logical3A_419 = arith.shrui %get3A_416, %shift_right_logical3A_418 : vector<16xi32>
        %swap3A_420 = arith.constant 1 : i32
        %swap3A_421 = arith.index_cast %swap3A_420 : i32 to index
        %swap3A_422 = arith.constant 80 : index
        %swap3A_423 = tpu.vector_load %arg6[%swap3A_421, %swap3A_422] {strides = array<i32>} : memref<2x128xi32, #tpu.memory_space<vmem>>, vector<1x16xi32>,
        %swap3A_424 = vector.shape_cast %swap3A_423 : vector<1x16xi32> to vector<16xi32>
        %swap3A_425 = vector.shape_cast %shift_right_logical3A_419 : vector<16xi32> to vector<1x16xi32>
        tpu.vector_store %arg6[%swap3A_421, %swap3A_422], %swap3A_425 {strides = array<i32>} : memref<2x128xi32, #tpu.memory_space<vmem>>, vector<1x16xi32>,
        %and3A_426 = arith.constant 16383 : i32
        %and3A_427 = vector.broadcast %and3A_426 : i32 to vector<16xi32>
        %and3A_428 = arith.andi %get3A_416, %and3A_427 : vector<16xi32>
        %swap3A_429 = arith.constant 1 : i32
        %swap3A_430 = arith.index_cast %swap3A_429 : i32 to index
        %swap3A_431 = arith.constant 80 : index
        %swap3A_432 = tpu.vector_load %arg7[%swap3A_430, %swap3A_431] {strides = array<i32>} : memref<2x128xi32, #tpu.memory_space<vmem>>, vector<1x16xi32>,
        %swap3A_433 = vector.shape_cast %swap3A_432 : vector<1x16xi32> to vector<16xi32>
        %swap3A_434 = vector.shape_cast %and3A_428 : vector<16xi32> to vector<1x16xi32>
        tpu.vector_store %arg7[%swap3A_430, %swap3A_431], %swap3A_434 {strides = array<i32>} : memref<2x128xi32, #tpu.memory_space<vmem>>, vector<1x16xi32>,
        %get3A_435 = arith.index_cast %add3A_302 : i32 to index
        %get3A_436 = arith.constant 96 : index
        %get3A_437 = tpu.vector_load %arg5[%get3A_435, %get3A_436] {strides = array<i32>} : memref<120x128xi32, #tpu.memory_space<vmem>>, vector<1x16xi32>,
        %get3A_438 = vector.shape_cast %get3A_437 : vector<1x16xi32> to vector<16xi32>
        %shift_right_logical3A_439 = arith.constant 14 : i32
        %shift_right_logical3A_440 = vector.broadcast %shift_right_logical3A_439 : i32 to vector<16xi32>
        %shift_right_logical3A_441 = arith.shrui %get3A_438, %shift_right_logical3A_440 : vector<16xi32>
        %swap3A_442 = arith.constant 1 : i32
        %swap3A_443 = arith.index_cast %swap3A_442 : i32 to index
        %swap3A_444 = arith.constant 96 : index
        %swap3A_445 = tpu.vector_load %arg6[%swap3A_443, %swap3A_444] {strides = array<i32>} : memref<2x128xi32, #tpu.memory_space<vmem>>, vector<1x16xi32>,
        %swap3A_446 = vector.shape_cast %swap3A_445 : vector<1x16xi32> to vector<16xi32>
        %swap3A_447 = vector.shape_cast %shift_right_logical3A_441 : vector<16xi32> to vector<1x16xi32>
        tpu.vector_store %arg6[%swap3A_443, %swap3A_444], %swap3A_447 {strides = array<i32>} : memref<2x128xi32, #tpu.memory_space<vmem>>, vector<1x16xi32>,
        %and3A_448 = arith.constant 16383 : i32
        %and3A_449 = vector.broadcast %and3A_448 : i32 to vector<16xi32>
        %and3A_450 = arith.andi %get3A_438, %and3A_449 : vector<16xi32>
        %swap3A_451 = arith.constant 1 : i32
        %swap3A_452 = arith.index_cast %swap3A_451 : i32 to index
        %swap3A_453 = arith.constant 96 : index
        %swap3A_454 = tpu.vector_load %arg7[%swap3A_452, %swap3A_453] {strides = array<i32>} : memref<2x128xi32, #tpu.memory_space<vmem>>, vector<1x16xi32>,
        %swap3A_455 = vector.shape_cast %swap3A_454 : vector<1x16xi32> to vector<16xi32>
        %swap3A_456 = vector.shape_cast %and3A_450 : vector<16xi32> to vector<1x16xi32>
        tpu.vector_store %arg7[%swap3A_452, %swap3A_453], %swap3A_456 {strides = array<i32>} : memref<2x128xi32, #tpu.memory_space<vmem>>, vector<1x16xi32>,
        %get3A_457 = arith.index_cast %add3A_302 : i32 to index
        %get3A_458 = arith.constant 112 : index
        %get3A_459 = tpu.vector_load %arg5[%get3A_457, %get3A_458] {strides = array<i32>} : memref<120x128xi32, #tpu.memory_space<vmem>>, vector<1x16xi32>,
        %get3A_460 = vector.shape_cast %get3A_459 : vector<1x16xi32> to vector<16xi32>
        %shift_right_logical3A_461 = arith.constant 14 : i32
        %shift_right_logical3A_462 = vector.broadcast %shift_right_logical3A_461 : i32 to vector<16xi32>
        %shift_right_logical3A_463 = arith.shrui %get3A_460, %shift_right_logical3A_462 : vector<16xi32>
        %swap3A_464 = arith.constant 1 : i32
        %swap3A_465 = arith.index_cast %swap3A_464 : i32 to index
        %swap3A_466 = arith.constant 112 : index
        %swap3A_467 = tpu.vector_load %arg6[%swap3A_465, %swap3A_466] {strides = array<i32>} : memref<2x128xi32, #tpu.memory_space<vmem>>, vector<1x16xi32>,
        %swap3A_468 = vector.shape_cast %swap3A_467 : vector<1x16xi32> to vector<16xi32>
        %swap3A_469 = vector.shape_cast %shift_right_logical3A_463 : vector<16xi32> to vector<1x16xi32>
        tpu.vector_store %arg6[%swap3A_465, %swap3A_466], %swap3A_469 {strides = array<i32>} : memref<2x128xi32, #tpu.memory_space<vmem>>, vector<1x16xi32>,
        %and3A_470 = arith.constant 16383 : i32
        %and3A_471 = vector.broadcast %and3A_470 : i32 to vector<16xi32>
        %and3A_472 = arith.andi %get3A_460, %and3A_471 : vector<16xi32>
        %swap3A_473 = arith.constant 1 : i32
        %swap3A_474 = arith.index_cast %swap3A_473 : i32 to index
        %swap3A_475 = arith.constant 112 : index
        %swap3A_476 = tpu.vector_load %arg7[%swap3A_474, %swap3A_475] {strides = array<i32>} : memref<2x128xi32, #tpu.memory_space<vmem>>, vector<1x16xi32>,
        %swap3A_477 = vector.shape_cast %swap3A_476 : vector<1x16xi32> to vector<16xi32>
        %swap3A_478 = vector.shape_cast %and3A_472 : vector<16xi32> to vector<1x16xi32>
        tpu.vector_store %arg7[%swap3A_474, %swap3A_475], %swap3A_478 {strides = array<i32>} : memref<2x128xi32, #tpu.memory_space<vmem>>, vector<1x16xi32>,
        %ge3A = arith.constant 1 : i32
        %ge3A_479 = arith.cmpi sge, %add3A_257, %ge3A : i32
        %convert_element_type3A_480 = arith.extui %ge3A_479 : i1 to i32
        %cond3A_481 = arith.constant 0 : i32
        %cond3A_482 = arith.cmpi ne, %convert_element_type3A_480, %cond3A_481 : i32
        scf.if %cond3A_482 {
          %dma_wait3A_490 = arith.constant 1 : i32
          %dma_wait3A_491 = arith.constant 0 : i32
          %dma_wait3A_492 = tpu.memref_slice %arg7[%dma_wait3A_490, %dma_wait3A_491] : memref<2x128xi32, #tpu.memory_space<vmem>> -> memref<1x128xi32, #tpu.memory_space<vmem>>
          %dma_wait3A_493 = tpu.memref_squeeze %dma_wait3A_492 : memref<1x128xi32, #tpu.memory_space<vmem>> -> memref<128xi32, #tpu.memory_space<vmem>>
          %dma_wait3A_494 = arith.constant 0 : i32
          %dma_wait3A_495 = arith.constant 0 : i32
          %dma_wait3A_496 = tpu.memref_slice %arg10[%dma_wait3A_494, %dma_wait3A_495] : memref<10240x128xf32, #tpu.memory_space<vmem_shared>> -> memref<10240x128xf32, #tpu.memory_space<vmem_shared>>
          tpu.wait_indirect_dma semaphore(%arg14 : memref<!tpu.dma_semaphore, #tpu.memory_space<semaphore_mem>>) src(%arg9 : memref<128x128xf32, #tpu.memory_space<vmem>>) dst(%dma_wait3A_496 : memref<10240x128xf32, #tpu.memory_space<vmem_shared>>)
        } else {
        }
        %dma_start3A_483 = arith.constant 1 : i32
        %dma_start3A_484 = arith.constant 0 : i32
        %dma_start3A_485 = tpu.memref_slice %arg6[%dma_start3A_483, %dma_start3A_484] : memref<2x128xi32, #tpu.memory_space<vmem>> -> memref<1x128xi32, #tpu.memory_space<vmem>>
        %dma_start3A_486 = tpu.memref_squeeze %dma_start3A_485 : memref<1x128xi32, #tpu.memory_space<vmem>> -> memref<128xi32, #tpu.memory_space<vmem>>
        %dma_start3A_487 = arith.constant 0 : i32
        %dma_start3A_488 = arith.constant 0 : i32
        %dma_start3A_489 = tpu.memref_slice %arg2[%dma_start3A_487, %dma_start3A_488] : memref<10240x128xf32, #tpu.memory_space<hbm>> -> memref<10240x128xf32, #tpu.memory_space<hbm>>
        tpu.enqueue_indirect_dma source(%dma_start3A_489 : memref<10240x128xf32, #tpu.memory_space<hbm>>) target(%arg9 : memref<128x128xf32, #tpu.memory_space<vmem>>) offsets(%dma_start3A_486 : memref<128xi32, #tpu.memory_space<vmem>>) semaphore(%arg12 : memref<!tpu.dma_semaphore, #tpu.memory_space<semaphore_mem>>)
      } else {
      }
      %mul3A_277 = arith.constant 2 : i32
      %mul3A_278 = arith.muli %mul3A_277, %while3A_253 : i32
      %add3A_279 = arith.constant 1 : i32
      %add3A_280 = arith.addi %mul3A_278, %add3A_279 : i32
      %dma_wait3A_281 = arith.constant 1 : i32
      %dma_wait3A_282 = arith.constant 0 : i32
      %dma_wait3A_283 = tpu.memref_slice %arg6[%dma_wait3A_281, %dma_wait3A_282] : memref<2x128xi32, #tpu.memory_space<vmem>> -> memref<1x128xi32, #tpu.memory_space<vmem>>
      %dma_wait3A_284 = tpu.memref_squeeze %dma_wait3A_283 : memref<1x128xi32, #tpu.memory_space<vmem>> -> memref<128xi32, #tpu.memory_space<vmem>>
      %dma_wait3A_285 = arith.constant 0 : i32
      %dma_wait3A_286 = arith.constant 0 : i32
      %dma_wait3A_287 = tpu.memref_slice %arg2[%dma_wait3A_285, %dma_wait3A_286] : memref<10240x128xf32, #tpu.memory_space<hbm>> -> memref<10240x128xf32, #tpu.memory_space<hbm>>
      tpu.wait_indirect_dma semaphore(%arg12 : memref<!tpu.dma_semaphore, #tpu.memory_space<semaphore_mem>>) src(%dma_wait3A_287 : memref<10240x128xf32, #tpu.memory_space<hbm>>) dst(%arg9 : memref<128x128xf32, #tpu.memory_space<vmem>>)
      %dma_start3A_288 = arith.constant 1 : i32
      %dma_start3A_289 = arith.constant 0 : i32
      %dma_start3A_290 = tpu.memref_slice %arg7[%dma_start3A_288, %dma_start3A_289] : memref<2x128xi32, #tpu.memory_space<vmem>> -> memref<1x128xi32, #tpu.memory_space<vmem>>
      %dma_start3A_291 = tpu.memref_squeeze %dma_start3A_290 : memref<1x128xi32, #tpu.memory_space<vmem>> -> memref<128xi32, #tpu.memory_space<vmem>>
      %dma_start3A_292 = arith.constant 0 : i32
      %dma_start3A_293 = arith.constant 0 : i32
      %dma_start3A_294 = tpu.memref_slice %arg10[%dma_start3A_292, %dma_start3A_293] : memref<10240x128xf32, #tpu.memory_space<vmem_shared>> -> memref<10240x128xf32, #tpu.memory_space<vmem_shared>>
      tpu.enqueue_indirect_dma source(%arg9 : memref<128x128xf32, #tpu.memory_space<vmem>>) target(%dma_start3A_294 : memref<10240x128xf32, #tpu.memory_space<vmem_shared>>) offsets(%dma_start3A_291 : memref<128xi32, #tpu.memory_space<vmem>>) semaphore(%arg14 : memref<!tpu.dma_semaphore, #tpu.memory_space<semaphore_mem>>) {add = true}
      %add3A_295 = arith.constant 1 : i32
      %add3A_296 = arith.addi %add3A_280, %add3A_295 : i32
      %lt3A_297 = arith.cmpi slt, %add3A_296, %select_n3A_10 : i32
      %convert_element_type3A_298 = arith.extui %lt3A_297 : i1 to i32
      %cond3A_299 = arith.constant 0 : i32
      %cond3A_300 = arith.cmpi ne, %convert_element_type3A_298, %cond3A_299 : i32
      scf.if %cond3A_300 {
        %add3A_301 = arith.constant 1 : i32
        %add3A_302 = arith.addi %add3A_280, %add3A_301 : i32
        %get3A_303 = arith.index_cast %add3A_302 : i32 to index
        %get3A_304 = arith.constant 0 : index
        %get3A_305 = tpu.vector_load %arg5[%get3A_303, %get3A_304] {strides = array<i32>} : memref<120x128xi32, #tpu.memory_space<vmem>>, vector<1x16xi32>,
        %get3A_306 = vector.shape_cast %get3A_305 : vector<1x16xi32> to vector<16xi32>
        %shift_right_logical3A_307 = arith.constant 14 : i32
        %shift_right_logical3A_308 = vector.broadcast %shift_right_logical3A_307 : i32 to vector<16xi32>
        %shift_right_logical3A_309 = arith.shrui %get3A_306, %shift_right_logical3A_308 : vector<16xi32>
        %swap3A_310 = arith.constant 0 : i32
        %swap3A_311 = arith.index_cast %swap3A_310 : i32 to index
        %swap3A_312 = arith.constant 0 : index
        %swap3A_313 = tpu.vector_load %arg6[%swap3A_311, %swap3A_312] {strides = array<i32>} : memref<2x128xi32, #tpu.memory_space<vmem>>, vector<1x16xi32>,
        %swap3A_314 = vector.shape_cast %swap3A_313 : vector<1x16xi32> to vector<16xi32>
        %swap3A_315 = vector.shape_cast %shift_right_logical3A_309 : vector<16xi32> to vector<1x16xi32>
        tpu.vector_store %arg6[%swap3A_311, %swap3A_312], %swap3A_315 {strides = array<i32>} : memref<2x128xi32, #tpu.memory_space<vmem>>, vector<1x16xi32>,
        %and3A_316 = arith.constant 16383 : i32
        %and3A_317 = vector.broadcast %and3A_316 : i32 to vector<16xi32>
        %and3A_318 = arith.andi %get3A_306, %and3A_317 : vector<16xi32>
        %swap3A_319 = arith.constant 0 : i32
        %swap3A_320 = arith.index_cast %swap3A_319 : i32 to index
        %swap3A_321 = arith.constant 0 : index
        %swap3A_322 = tpu.vector_load %arg7[%swap3A_320, %swap3A_321] {strides = array<i32>} : memref<2x128xi32, #tpu.memory_space<vmem>>, vector<1x16xi32>,
        %swap3A_323 = vector.shape_cast %swap3A_322 : vector<1x16xi32> to vector<16xi32>
        %swap3A_324 = vector.shape_cast %and3A_318 : vector<16xi32> to vector<1x16xi32>
        tpu.vector_store %arg7[%swap3A_320, %swap3A_321], %swap3A_324 {strides = array<i32>} : memref<2x128xi32, #tpu.memory_space<vmem>>, vector<1x16xi32>,
        %get3A_325 = arith.index_cast %add3A_302 : i32 to index
        %get3A_326 = arith.constant 16 : index
        %get3A_327 = tpu.vector_load %arg5[%get3A_325, %get3A_326] {strides = array<i32>} : memref<120x128xi32, #tpu.memory_space<vmem>>, vector<1x16xi32>,
        %get3A_328 = vector.shape_cast %get3A_327 : vector<1x16xi32> to vector<16xi32>
        %shift_right_logical3A_329 = arith.constant 14 : i32
        %shift_right_logical3A_330 = vector.broadcast %shift_right_logical3A_329 : i32 to vector<16xi32>
        %shift_right_logical3A_331 = arith.shrui %get3A_328, %shift_right_logical3A_330 : vector<16xi32>
        %swap3A_332 = arith.constant 0 : i32
        %swap3A_333 = arith.index_cast %swap3A_332 : i32 to index
        %swap3A_334 = arith.constant 16 : index
        %swap3A_335 = tpu.vector_load %arg6[%swap3A_333, %swap3A_334] {strides = array<i32>} : memref<2x128xi32, #tpu.memory_space<vmem>>, vector<1x16xi32>,
        %swap3A_336 = vector.shape_cast %swap3A_335 : vector<1x16xi32> to vector<16xi32>
        %swap3A_337 = vector.shape_cast %shift_right_logical3A_331 : vector<16xi32> to vector<1x16xi32>
        tpu.vector_store %arg6[%swap3A_333, %swap3A_334], %swap3A_337 {strides = array<i32>} : memref<2x128xi32, #tpu.memory_space<vmem>>, vector<1x16xi32>,
        %and3A_338 = arith.constant 16383 : i32
        %and3A_339 = vector.broadcast %and3A_338 : i32 to vector<16xi32>
        %and3A_340 = arith.andi %get3A_328, %and3A_339 : vector<16xi32>
        %swap3A_341 = arith.constant 0 : i32
        %swap3A_342 = arith.index_cast %swap3A_341 : i32 to index
        %swap3A_343 = arith.constant 16 : index
        %swap3A_344 = tpu.vector_load %arg7[%swap3A_342, %swap3A_343] {strides = array<i32>} : memref<2x128xi32, #tpu.memory_space<vmem>>, vector<1x16xi32>,
        %swap3A_345 = vector.shape_cast %swap3A_344 : vector<1x16xi32> to vector<16xi32>
        %swap3A_346 = vector.shape_cast %and3A_340 : vector<16xi32> to vector<1x16xi32>
        tpu.vector_store %arg7[%swap3A_342, %swap3A_343], %swap3A_346 {strides = array<i32>} : memref<2x128xi32, #tpu.memory_space<vmem>>, vector<1x16xi32>,
        %get3A_347 = arith.index_cast %add3A_302 : i32 to index
        %get3A_348 = arith.constant 32 : index
        %get3A_349 = tpu.vector_load %arg5[%get3A_347, %get3A_348] {strides = array<i32>} : memref<120x128xi32, #tpu.memory_space<vmem>>, vector<1x16xi32>,
        %get3A_350 = vector.shape_cast %get3A_349 : vector<1x16xi32> to vector<16xi32>
        %shift_right_logical3A_351 = arith.constant 14 : i32
        %shift_right_logical3A_352 = vector.broadcast %shift_right_logical3A_351 : i32 to vector<16xi32>
        %shift_right_logical3A_353 = arith.shrui %get3A_350, %shift_right_logical3A_352 : vector<16xi32>
        %swap3A_354 = arith.constant 0 : i32
        %swap3A_355 = arith.index_cast %swap3A_354 : i32 to index
        %swap3A_356 = arith.constant 32 : index
        %swap3A_357 = tpu.vector_load %arg6[%swap3A_355, %swap3A_356] {strides = array<i32>} : memref<2x128xi32, #tpu.memory_space<vmem>>, vector<1x16xi32>,
        %swap3A_358 = vector.shape_cast %swap3A_357 : vector<1x16xi32> to vector<16xi32>
        %swap3A_359 = vector.shape_cast %shift_right_logical3A_353 : vector<16xi32> to vector<1x16xi32>
        tpu.vector_store %arg6[%swap3A_355, %swap3A_356], %swap3A_359 {strides = array<i32>} : memref<2x128xi32, #tpu.memory_space<vmem>>, vector<1x16xi32>,
        %and3A_360 = arith.constant 16383 : i32
        %and3A_361 = vector.broadcast %and3A_360 : i32 to vector<16xi32>
        %and3A_362 = arith.andi %get3A_350, %and3A_361 : vector<16xi32>
        %swap3A_363 = arith.constant 0 : i32
        %swap3A_364 = arith.index_cast %swap3A_363 : i32 to index
        %swap3A_365 = arith.constant 32 : index
        %swap3A_366 = tpu.vector_load %arg7[%swap3A_364, %swap3A_365] {strides = array<i32>} : memref<2x128xi32, #tpu.memory_space<vmem>>, vector<1x16xi32>,
        %swap3A_367 = vector.shape_cast %swap3A_366 : vector<1x16xi32> to vector<16xi32>
        %swap3A_368 = vector.shape_cast %and3A_362 : vector<16xi32> to vector<1x16xi32>
        tpu.vector_store %arg7[%swap3A_364, %swap3A_365], %swap3A_368 {strides = array<i32>} : memref<2x128xi32, #tpu.memory_space<vmem>>, vector<1x16xi32>,
        %get3A_369 = arith.index_cast %add3A_302 : i32 to index
        %get3A_370 = arith.constant 48 : index
        %get3A_371 = tpu.vector_load %arg5[%get3A_369, %get3A_370] {strides = array<i32>} : memref<120x128xi32, #tpu.memory_space<vmem>>, vector<1x16xi32>,
        %get3A_372 = vector.shape_cast %get3A_371 : vector<1x16xi32> to vector<16xi32>
        %shift_right_logical3A_373 = arith.constant 14 : i32
        %shift_right_logical3A_374 = vector.broadcast %shift_right_logical3A_373 : i32 to vector<16xi32>
        %shift_right_logical3A_375 = arith.shrui %get3A_372, %shift_right_logical3A_374 : vector<16xi32>
        %swap3A_376 = arith.constant 0 : i32
        %swap3A_377 = arith.index_cast %swap3A_376 : i32 to index
        %swap3A_378 = arith.constant 48 : index
        %swap3A_379 = tpu.vector_load %arg6[%swap3A_377, %swap3A_378] {strides = array<i32>} : memref<2x128xi32, #tpu.memory_space<vmem>>, vector<1x16xi32>,
        %swap3A_380 = vector.shape_cast %swap3A_379 : vector<1x16xi32> to vector<16xi32>
        %swap3A_381 = vector.shape_cast %shift_right_logical3A_375 : vector<16xi32> to vector<1x16xi32>
        tpu.vector_store %arg6[%swap3A_377, %swap3A_378], %swap3A_381 {strides = array<i32>} : memref<2x128xi32, #tpu.memory_space<vmem>>, vector<1x16xi32>,
        %and3A_382 = arith.constant 16383 : i32
        %and3A_383 = vector.broadcast %and3A_382 : i32 to vector<16xi32>
        %and3A_384 = arith.andi %get3A_372, %and3A_383 : vector<16xi32>
        %swap3A_385 = arith.constant 0 : i32
        %swap3A_386 = arith.index_cast %swap3A_385 : i32 to index
        %swap3A_387 = arith.constant 48 : index
        %swap3A_388 = tpu.vector_load %arg7[%swap3A_386, %swap3A_387] {strides = array<i32>} : memref<2x128xi32, #tpu.memory_space<vmem>>, vector<1x16xi32>,
        %swap3A_389 = vector.shape_cast %swap3A_388 : vector<1x16xi32> to vector<16xi32>
        %swap3A_390 = vector.shape_cast %and3A_384 : vector<16xi32> to vector<1x16xi32>
        tpu.vector_store %arg7[%swap3A_386, %swap3A_387], %swap3A_390 {strides = array<i32>} : memref<2x128xi32, #tpu.memory_space<vmem>>, vector<1x16xi32>,
        %get3A_391 = arith.index_cast %add3A_302 : i32 to index
        %get3A_392 = arith.constant 64 : index
        %get3A_393 = tpu.vector_load %arg5[%get3A_391, %get3A_392] {strides = array<i32>} : memref<120x128xi32, #tpu.memory_space<vmem>>, vector<1x16xi32>,
        %get3A_394 = vector.shape_cast %get3A_393 : vector<1x16xi32> to vector<16xi32>
        %shift_right_logical3A_395 = arith.constant 14 : i32
        %shift_right_logical3A_396 = vector.broadcast %shift_right_logical3A_395 : i32 to vector<16xi32>
        %shift_right_logical3A_397 = arith.shrui %get3A_394, %shift_right_logical3A_396 : vector<16xi32>
        %swap3A_398 = arith.constant 0 : i32
        %swap3A_399 = arith.index_cast %swap3A_398 : i32 to index
        %swap3A_400 = arith.constant 64 : index
        %swap3A_401 = tpu.vector_load %arg6[%swap3A_399, %swap3A_400] {strides = array<i32>} : memref<2x128xi32, #tpu.memory_space<vmem>>, vector<1x16xi32>,
        %swap3A_402 = vector.shape_cast %swap3A_401 : vector<1x16xi32> to vector<16xi32>
        %swap3A_403 = vector.shape_cast %shift_right_logical3A_397 : vector<16xi32> to vector<1x16xi32>
        tpu.vector_store %arg6[%swap3A_399, %swap3A_400], %swap3A_403 {strides = array<i32>} : memref<2x128xi32, #tpu.memory_space<vmem>>, vector<1x16xi32>,
        %and3A_404 = arith.constant 16383 : i32
        %and3A_405 = vector.broadcast %and3A_404 : i32 to vector<16xi32>
        %and3A_406 = arith.andi %get3A_394, %and3A_405 : vector<16xi32>
        %swap3A_407 = arith.constant 0 : i32
        %swap3A_408 = arith.index_cast %swap3A_407 : i32 to index
        %swap3A_409 = arith.constant 64 : index
        %swap3A_410 = tpu.vector_load %arg7[%swap3A_408, %swap3A_409] {strides = array<i32>} : memref<2x128xi32, #tpu.memory_space<vmem>>, vector<1x16xi32>,
        %swap3A_411 = vector.shape_cast %swap3A_410 : vector<1x16xi32> to vector<16xi32>
        %swap3A_412 = vector.shape_cast %and3A_406 : vector<16xi32> to vector<1x16xi32>
        tpu.vector_store %arg7[%swap3A_408, %swap3A_409], %swap3A_412 {strides = array<i32>} : memref<2x128xi32, #tpu.memory_space<vmem>>, vector<1x16xi32>,
        %get3A_413 = arith.index_cast %add3A_302 : i32 to index
        %get3A_414 = arith.constant 80 : index
        %get3A_415 = tpu.vector_load %arg5[%get3A_413, %get3A_414] {strides = array<i32>} : memref<120x128xi32, #tpu.memory_space<vmem>>, vector<1x16xi32>,
        %get3A_416 = vector.shape_cast %get3A_415 : vector<1x16xi32> to vector<16xi32>
        %shift_right_logical3A_417 = arith.constant 14 : i32
        %shift_right_logical3A_418 = vector.broadcast %shift_right_logical3A_417 : i32 to vector<16xi32>
        %shift_right_logical3A_419 = arith.shrui %get3A_416, %shift_right_logical3A_418 : vector<16xi32>
        %swap3A_420 = arith.constant 0 : i32
        %swap3A_421 = arith.index_cast %swap3A_420 : i32 to index
        %swap3A_422 = arith.constant 80 : index
        %swap3A_423 = tpu.vector_load %arg6[%swap3A_421, %swap3A_422] {strides = array<i32>} : memref<2x128xi32, #tpu.memory_space<vmem>>, vector<1x16xi32>,
        %swap3A_424 = vector.shape_cast %swap3A_423 : vector<1x16xi32> to vector<16xi32>
        %swap3A_425 = vector.shape_cast %shift_right_logical3A_419 : vector<16xi32> to vector<1x16xi32>
        tpu.vector_store %arg6[%swap3A_421, %swap3A_422], %swap3A_425 {strides = array<i32>} : memref<2x128xi32, #tpu.memory_space<vmem>>, vector<1x16xi32>,
        %and3A_426 = arith.constant 16383 : i32
        %and3A_427 = vector.broadcast %and3A_426 : i32 to vector<16xi32>
        %and3A_428 = arith.andi %get3A_416, %and3A_427 : vector<16xi32>
        %swap3A_429 = arith.constant 0 : i32
        %swap3A_430 = arith.index_cast %swap3A_429 : i32 to index
        %swap3A_431 = arith.constant 80 : index
        %swap3A_432 = tpu.vector_load %arg7[%swap3A_430, %swap3A_431] {strides = array<i32>} : memref<2x128xi32, #tpu.memory_space<vmem>>, vector<1x16xi32>,
        %swap3A_433 = vector.shape_cast %swap3A_432 : vector<1x16xi32> to vector<16xi32>
        %swap3A_434 = vector.shape_cast %and3A_428 : vector<16xi32> to vector<1x16xi32>
        tpu.vector_store %arg7[%swap3A_430, %swap3A_431], %swap3A_434 {strides = array<i32>} : memref<2x128xi32, #tpu.memory_space<vmem>>, vector<1x16xi32>,
        %get3A_435 = arith.index_cast %add3A_302 : i32 to index
        %get3A_436 = arith.constant 96 : index
        %get3A_437 = tpu.vector_load %arg5[%get3A_435, %get3A_436] {strides = array<i32>} : memref<120x128xi32, #tpu.memory_space<vmem>>, vector<1x16xi32>,
        %get3A_438 = vector.shape_cast %get3A_437 : vector<1x16xi32> to vector<16xi32>
        %shift_right_logical3A_439 = arith.constant 14 : i32
        %shift_right_logical3A_440 = vector.broadcast %shift_right_logical3A_439 : i32 to vector<16xi32>
        %shift_right_logical3A_441 = arith.shrui %get3A_438, %shift_right_logical3A_440 : vector<16xi32>
        %swap3A_442 = arith.constant 0 : i32
        %swap3A_443 = arith.index_cast %swap3A_442 : i32 to index
        %swap3A_444 = arith.constant 96 : index
        %swap3A_445 = tpu.vector_load %arg6[%swap3A_443, %swap3A_444] {strides = array<i32>} : memref<2x128xi32, #tpu.memory_space<vmem>>, vector<1x16xi32>,
        %swap3A_446 = vector.shape_cast %swap3A_445 : vector<1x16xi32> to vector<16xi32>
        %swap3A_447 = vector.shape_cast %shift_right_logical3A_441 : vector<16xi32> to vector<1x16xi32>
        tpu.vector_store %arg6[%swap3A_443, %swap3A_444], %swap3A_447 {strides = array<i32>} : memref<2x128xi32, #tpu.memory_space<vmem>>, vector<1x16xi32>,
        %and3A_448 = arith.constant 16383 : i32
        %and3A_449 = vector.broadcast %and3A_448 : i32 to vector<16xi32>
        %and3A_450 = arith.andi %get3A_438, %and3A_449 : vector<16xi32>
        %swap3A_451 = arith.constant 0 : i32
        %swap3A_452 = arith.index_cast %swap3A_451 : i32 to index
        %swap3A_453 = arith.constant 96 : index
        %swap3A_454 = tpu.vector_load %arg7[%swap3A_452, %swap3A_453] {strides = array<i32>} : memref<2x128xi32, #tpu.memory_space<vmem>>, vector<1x16xi32>,
        %swap3A_455 = vector.shape_cast %swap3A_454 : vector<1x16xi32> to vector<16xi32>
        %swap3A_456 = vector.shape_cast %and3A_450 : vector<16xi32> to vector<1x16xi32>
        tpu.vector_store %arg7[%swap3A_452, %swap3A_453], %swap3A_456 {strides = array<i32>} : memref<2x128xi32, #tpu.memory_space<vmem>>, vector<1x16xi32>,
        %get3A_457 = arith.index_cast %add3A_302 : i32 to index
        %get3A_458 = arith.constant 112 : index
        %get3A_459 = tpu.vector_load %arg5[%get3A_457, %get3A_458] {strides = array<i32>} : memref<120x128xi32, #tpu.memory_space<vmem>>, vector<1x16xi32>,
        %get3A_460 = vector.shape_cast %get3A_459 : vector<1x16xi32> to vector<16xi32>
        %shift_right_logical3A_461 = arith.constant 14 : i32
        %shift_right_logical3A_462 = vector.broadcast %shift_right_logical3A_461 : i32 to vector<16xi32>
        %shift_right_logical3A_463 = arith.shrui %get3A_460, %shift_right_logical3A_462 : vector<16xi32>
        %swap3A_464 = arith.constant 0 : i32
        %swap3A_465 = arith.index_cast %swap3A_464 : i32 to index
        %swap3A_466 = arith.constant 112 : index
        %swap3A_467 = tpu.vector_load %arg6[%swap3A_465, %swap3A_466] {strides = array<i32>} : memref<2x128xi32, #tpu.memory_space<vmem>>, vector<1x16xi32>,
        %swap3A_468 = vector.shape_cast %swap3A_467 : vector<1x16xi32> to vector<16xi32>
        %swap3A_469 = vector.shape_cast %shift_right_logical3A_463 : vector<16xi32> to vector<1x16xi32>
        tpu.vector_store %arg6[%swap3A_465, %swap3A_466], %swap3A_469 {strides = array<i32>} : memref<2x128xi32, #tpu.memory_space<vmem>>, vector<1x16xi32>,
        %and3A_470 = arith.constant 16383 : i32
        %and3A_471 = vector.broadcast %and3A_470 : i32 to vector<16xi32>
        %and3A_472 = arith.andi %get3A_460, %and3A_471 : vector<16xi32>
        %swap3A_473 = arith.constant 0 : i32
        %swap3A_474 = arith.index_cast %swap3A_473 : i32 to index
        %swap3A_475 = arith.constant 112 : index
        %swap3A_476 = tpu.vector_load %arg7[%swap3A_474, %swap3A_475] {strides = array<i32>} : memref<2x128xi32, #tpu.memory_space<vmem>>, vector<1x16xi32>,
        %swap3A_477 = vector.shape_cast %swap3A_476 : vector<1x16xi32> to vector<16xi32>
        %swap3A_478 = vector.shape_cast %and3A_472 : vector<16xi32> to vector<1x16xi32>
        tpu.vector_store %arg7[%swap3A_474, %swap3A_475], %swap3A_478 {strides = array<i32>} : memref<2x128xi32, #tpu.memory_space<vmem>>, vector<1x16xi32>,
        %ge3A = arith.constant 1 : i32
        %ge3A_479 = arith.cmpi sge, %add3A_280, %ge3A : i32
        %convert_element_type3A_480 = arith.extui %ge3A_479 : i1 to i32
        %cond3A_481 = arith.constant 0 : i32
        %cond3A_482 = arith.cmpi ne, %convert_element_type3A_480, %cond3A_481 : i32
        scf.if %cond3A_482 {
          %dma_wait3A_490 = arith.constant 0 : i32
          %dma_wait3A_491 = arith.constant 0 : i32
          %dma_wait3A_492 = tpu.memref_slice %arg7[%dma_wait3A_490, %dma_wait3A_491] : memref<2x128xi32, #tpu.memory_space<vmem>> -> memref<1x128xi32, #tpu.memory_space<vmem>>
          %dma_wait3A_493 = tpu.memref_squeeze %dma_wait3A_492 : memref<1x128xi32, #tpu.memory_space<vmem>> -> memref<128xi32, #tpu.memory_space<vmem>>
          %dma_wait3A_494 = arith.constant 0 : i32
          %dma_wait3A_495 = arith.constant 0 : i32
          %dma_wait3A_496 = tpu.memref_slice %arg10[%dma_wait3A_494, %dma_wait3A_495] : memref<10240x128xf32, #tpu.memory_space<vmem_shared>> -> memref<10240x128xf32, #tpu.memory_space<vmem_shared>>
          tpu.wait_indirect_dma semaphore(%arg13 : memref<!tpu.dma_semaphore, #tpu.memory_space<semaphore_mem>>) src(%arg8 : memref<128x128xf32, #tpu.memory_space<vmem>>) dst(%dma_wait3A_496 : memref<10240x128xf32, #tpu.memory_space<vmem_shared>>)
        } else {
        }
        %dma_start3A_483 = arith.constant 0 : i32
        %dma_start3A_484 = arith.constant 0 : i32
        %dma_start3A_485 = tpu.memref_slice %arg6[%dma_start3A_483, %dma_start3A_484] : memref<2x128xi32, #tpu.memory_space<vmem>> -> memref<1x128xi32, #tpu.memory_space<vmem>>
        %dma_start3A_486 = tpu.memref_squeeze %dma_start3A_485 : memref<1x128xi32, #tpu.memory_space<vmem>> -> memref<128xi32, #tpu.memory_space<vmem>>
        %dma_start3A_487 = arith.constant 0 : i32
        %dma_start3A_488 = arith.constant 0 : i32
        %dma_start3A_489 = tpu.memref_slice %arg2[%dma_start3A_487, %dma_start3A_488] : memref<10240x128xf32, #tpu.memory_space<hbm>> -> memref<10240x128xf32, #tpu.memory_space<hbm>>
        tpu.enqueue_indirect_dma source(%dma_start3A_489 : memref<10240x128xf32, #tpu.memory_space<hbm>>) target(%arg8 : memref<128x128xf32, #tpu.memory_space<vmem>>) offsets(%dma_start3A_486 : memref<128xi32, #tpu.memory_space<vmem>>) semaphore(%arg11 : memref<!tpu.dma_semaphore, #tpu.memory_space<semaphore_mem>>)
      } else {
      }
    }
    %while3A_234 = arith.constant 1 : i32
    scf.for %while3A_253 = %while3A_232 to %while3A_228 step %while3A_234  : i32 {
      %mul3A_254 = arith.constant 2 : i32
      %mul3A_255 = arith.muli %mul3A_254, %while3A_253 : i32
      %add3A_256 = arith.constant 0 : i32
      %add3A_257 = arith.addi %mul3A_255, %add3A_256 : i32
      %dma_wait3A_258 = arith.constant 0 : i32
      %dma_wait3A_259 = arith.constant 0 : i32
      %dma_wait3A_260 = tpu.memref_slice %arg6[%dma_wait3A_258, %dma_wait3A_259] : memref<2x128xi32, #tpu.memory_space<vmem>> -> memref<1x128xi32, #tpu.memory_space<vmem>>
      %dma_wait3A_261 = tpu.memref_squeeze %dma_wait3A_260 : memref<1x128xi32, #tpu.memory_space<vmem>> -> memref<128xi32, #tpu.memory_space<vmem>>
      %dma_wait3A_262 = arith.constant 0 : i32
      %dma_wait3A_263 = arith.constant 0 : i32
      %dma_wait3A_264 = tpu.memref_slice %arg2[%dma_wait3A_262, %dma_wait3A_263] : memref<10240x128xf32, #tpu.memory_space<hbm>> -> memref<10240x128xf32, #tpu.memory_space<hbm>>
      tpu.wait_indirect_dma semaphore(%arg11 : memref<!tpu.dma_semaphore, #tpu.memory_space<semaphore_mem>>) src(%dma_wait3A_264 : memref<10240x128xf32, #tpu.memory_space<hbm>>) dst(%arg8 : memref<128x128xf32, #tpu.memory_space<vmem>>)
      %dma_start3A_265 = arith.constant 0 : i32
      %dma_start3A_266 = arith.constant 0 : i32
      %dma_start3A_267 = tpu.memref_slice %arg7[%dma_start3A_265, %dma_start3A_266] : memref<2x128xi32, #tpu.memory_space<vmem>> -> memref<1x128xi32, #tpu.memory_space<vmem>>
      %dma_start3A_268 = tpu.memref_squeeze %dma_start3A_267 : memref<1x128xi32, #tpu.memory_space<vmem>> -> memref<128xi32, #tpu.memory_space<vmem>>
      %dma_start3A_269 = arith.constant 0 : i32
      %dma_start3A_270 = arith.constant 0 : i32
      %dma_start3A_271 = tpu.memref_slice %arg10[%dma_start3A_269, %dma_start3A_270] : memref<10240x128xf32, #tpu.memory_space<vmem_shared>> -> memref<10240x128xf32, #tpu.memory_space<vmem_shared>>
      tpu.enqueue_indirect_dma source(%arg8 : memref<128x128xf32, #tpu.memory_space<vmem>>) target(%dma_start3A_271 : memref<10240x128xf32, #tpu.memory_space<vmem_shared>>) offsets(%dma_start3A_268 : memref<128xi32, #tpu.memory_space<vmem>>) semaphore(%arg13 : memref<!tpu.dma_semaphore, #tpu.memory_space<semaphore_mem>>) {add = true}
      %add3A_272 = arith.constant 1 : i32
      %add3A_273 = arith.addi %add3A_257, %add3A_272 : i32
      %lt3A = arith.cmpi slt, %add3A_273, %select_n3A_10 : i32
      %convert_element_type3A_274 = arith.extui %lt3A : i1 to i32
      %cond3A_275 = arith.constant 0 : i32
      %cond3A_276 = arith.cmpi ne, %convert_element_type3A_274, %cond3A_275 : i32
      scf.if %cond3A_276 {
        %add3A_301 = arith.constant 1 : i32
        %add3A_302 = arith.addi %add3A_257, %add3A_301 : i32
        %get3A_303 = arith.index_cast %add3A_302 : i32 to index
        %get3A_304 = arith.constant 0 : index
        %get3A_305 = tpu.vector_load %arg5[%get3A_303, %get3A_304] {strides = array<i32>} : memref<120x128xi32, #tpu.memory_space<vmem>>, vector<1x16xi32>,
        %get3A_306 = vector.shape_cast %get3A_305 : vector<1x16xi32> to vector<16xi32>
        %shift_right_logical3A_307 = arith.constant 14 : i32
        %shift_right_logical3A_308 = vector.broadcast %shift_right_logical3A_307 : i32 to vector<16xi32>
        %shift_right_logical3A_309 = arith.shrui %get3A_306, %shift_right_logical3A_308 : vector<16xi32>
        %swap3A_310 = arith.constant 1 : i32
        %swap3A_311 = arith.index_cast %swap3A_310 : i32 to index
        %swap3A_312 = arith.constant 0 : index
        %swap3A_313 = tpu.vector_load %arg6[%swap3A_311, %swap3A_312] {strides = array<i32>} : memref<2x128xi32, #tpu.memory_space<vmem>>, vector<1x16xi32>,
        %swap3A_314 = vector.shape_cast %swap3A_313 : vector<1x16xi32> to vector<16xi32>
        %swap3A_315 = vector.shape_cast %shift_right_logical3A_309 : vector<16xi32> to vector<1x16xi32>
        tpu.vector_store %arg6[%swap3A_311, %swap3A_312], %swap3A_315 {strides = array<i32>} : memref<2x128xi32, #tpu.memory_space<vmem>>, vector<1x16xi32>,
        %and3A_316 = arith.constant 16383 : i32
        %and3A_317 = vector.broadcast %and3A_316 : i32 to vector<16xi32>
        %and3A_318 = arith.andi %get3A_306, %and3A_317 : vector<16xi32>
        %swap3A_319 = arith.constant 1 : i32
        %swap3A_320 = arith.index_cast %swap3A_319 : i32 to index
        %swap3A_321 = arith.constant 0 : index
        %swap3A_322 = tpu.vector_load %arg7[%swap3A_320, %swap3A_321] {strides = array<i32>} : memref<2x128xi32, #tpu.memory_space<vmem>>, vector<1x16xi32>,
        %swap3A_323 = vector.shape_cast %swap3A_322 : vector<1x16xi32> to vector<16xi32>
        %swap3A_324 = vector.shape_cast %and3A_318 : vector<16xi32> to vector<1x16xi32>
        tpu.vector_store %arg7[%swap3A_320, %swap3A_321], %swap3A_324 {strides = array<i32>} : memref<2x128xi32, #tpu.memory_space<vmem>>, vector<1x16xi32>,
        %get3A_325 = arith.index_cast %add3A_302 : i32 to index
        %get3A_326 = arith.constant 16 : index
        %get3A_327 = tpu.vector_load %arg5[%get3A_325, %get3A_326] {strides = array<i32>} : memref<120x128xi32, #tpu.memory_space<vmem>>, vector<1x16xi32>,
        %get3A_328 = vector.shape_cast %get3A_327 : vector<1x16xi32> to vector<16xi32>
        %shift_right_logical3A_329 = arith.constant 14 : i32
        %shift_right_logical3A_330 = vector.broadcast %shift_right_logical3A_329 : i32 to vector<16xi32>
        %shift_right_logical3A_331 = arith.shrui %get3A_328, %shift_right_logical3A_330 : vector<16xi32>
        %swap3A_332 = arith.constant 1 : i32
        %swap3A_333 = arith.index_cast %swap3A_332 : i32 to index
        %swap3A_334 = arith.constant 16 : index
        %swap3A_335 = tpu.vector_load %arg6[%swap3A_333, %swap3A_334] {strides = array<i32>} : memref<2x128xi32, #tpu.memory_space<vmem>>, vector<1x16xi32>,
        %swap3A_336 = vector.shape_cast %swap3A_335 : vector<1x16xi32> to vector<16xi32>
        %swap3A_337 = vector.shape_cast %shift_right_logical3A_331 : vector<16xi32> to vector<1x16xi32>
        tpu.vector_store %arg6[%swap3A_333, %swap3A_334], %swap3A_337 {strides = array<i32>} : memref<2x128xi32, #tpu.memory_space<vmem>>, vector<1x16xi32>,
        %and3A_338 = arith.constant 16383 : i32
        %and3A_339 = vector.broadcast %and3A_338 : i32 to vector<16xi32>
        %and3A_340 = arith.andi %get3A_328, %and3A_339 : vector<16xi32>
        %swap3A_341 = arith.constant 1 : i32
        %swap3A_342 = arith.index_cast %swap3A_341 : i32 to index
        %swap3A_343 = arith.constant 16 : index
        %swap3A_344 = tpu.vector_load %arg7[%swap3A_342, %swap3A_343] {strides = array<i32>} : memref<2x128xi32, #tpu.memory_space<vmem>>, vector<1x16xi32>,
        %swap3A_345 = vector.shape_cast %swap3A_344 : vector<1x16xi32> to vector<16xi32>
        %swap3A_346 = vector.shape_cast %and3A_340 : vector<16xi32> to vector<1x16xi32>
        tpu.vector_store %arg7[%swap3A_342, %swap3A_343], %swap3A_346 {strides = array<i32>} : memref<2x128xi32, #tpu.memory_space<vmem>>, vector<1x16xi32>,
        %get3A_347 = arith.index_cast %add3A_302 : i32 to index
        %get3A_348 = arith.constant 32 : index
        %get3A_349 = tpu.vector_load %arg5[%get3A_347, %get3A_348] {strides = array<i32>} : memref<120x128xi32, #tpu.memory_space<vmem>>, vector<1x16xi32>,
        %get3A_350 = vector.shape_cast %get3A_349 : vector<1x16xi32> to vector<16xi32>
        %shift_right_logical3A_351 = arith.constant 14 : i32
        %shift_right_logical3A_352 = vector.broadcast %shift_right_logical3A_351 : i32 to vector<16xi32>
        %shift_right_logical3A_353 = arith.shrui %get3A_350, %shift_right_logical3A_352 : vector<16xi32>
        %swap3A_354 = arith.constant 1 : i32
        %swap3A_355 = arith.index_cast %swap3A_354 : i32 to index
        %swap3A_356 = arith.constant 32 : index
        %swap3A_357 = tpu.vector_load %arg6[%swap3A_355, %swap3A_356] {strides = array<i32>} : memref<2x128xi32, #tpu.memory_space<vmem>>, vector<1x16xi32>,
        %swap3A_358 = vector.shape_cast %swap3A_357 : vector<1x16xi32> to vector<16xi32>
        %swap3A_359 = vector.shape_cast %shift_right_logical3A_353 : vector<16xi32> to vector<1x16xi32>
        tpu.vector_store %arg6[%swap3A_355, %swap3A_356], %swap3A_359 {strides = array<i32>} : memref<2x128xi32, #tpu.memory_space<vmem>>, vector<1x16xi32>,
        %and3A_360 = arith.constant 16383 : i32
        %and3A_361 = vector.broadcast %and3A_360 : i32 to vector<16xi32>
        %and3A_362 = arith.andi %get3A_350, %and3A_361 : vector<16xi32>
        %swap3A_363 = arith.constant 1 : i32
        %swap3A_364 = arith.index_cast %swap3A_363 : i32 to index
        %swap3A_365 = arith.constant 32 : index
        %swap3A_366 = tpu.vector_load %arg7[%swap3A_364, %swap3A_365] {strides = array<i32>} : memref<2x128xi32, #tpu.memory_space<vmem>>, vector<1x16xi32>,
        %swap3A_367 = vector.shape_cast %swap3A_366 : vector<1x16xi32> to vector<16xi32>
        %swap3A_368 = vector.shape_cast %and3A_362 : vector<16xi32> to vector<1x16xi32>
        tpu.vector_store %arg7[%swap3A_364, %swap3A_365], %swap3A_368 {strides = array<i32>} : memref<2x128xi32, #tpu.memory_space<vmem>>, vector<1x16xi32>,
        %get3A_369 = arith.index_cast %add3A_302 : i32 to index
        %get3A_370 = arith.constant 48 : index
        %get3A_371 = tpu.vector_load %arg5[%get3A_369, %get3A_370] {strides = array<i32>} : memref<120x128xi32, #tpu.memory_space<vmem>>, vector<1x16xi32>,
        %get3A_372 = vector.shape_cast %get3A_371 : vector<1x16xi32> to vector<16xi32>
        %shift_right_logical3A_373 = arith.constant 14 : i32
        %shift_right_logical3A_374 = vector.broadcast %shift_right_logical3A_373 : i32 to vector<16xi32>
        %shift_right_logical3A_375 = arith.shrui %get3A_372, %shift_right_logical3A_374 : vector<16xi32>
        %swap3A_376 = arith.constant 1 : i32
        %swap3A_377 = arith.index_cast %swap3A_376 : i32 to index
        %swap3A_378 = arith.constant 48 : index
        %swap3A_379 = tpu.vector_load %arg6[%swap3A_377, %swap3A_378] {strides = array<i32>} : memref<2x128xi32, #tpu.memory_space<vmem>>, vector<1x16xi32>,
        %swap3A_380 = vector.shape_cast %swap3A_379 : vector<1x16xi32> to vector<16xi32>
        %swap3A_381 = vector.shape_cast %shift_right_logical3A_375 : vector<16xi32> to vector<1x16xi32>
        tpu.vector_store %arg6[%swap3A_377, %swap3A_378], %swap3A_381 {strides = array<i32>} : memref<2x128xi32, #tpu.memory_space<vmem>>, vector<1x16xi32>,
        %and3A_382 = arith.constant 16383 : i32
        %and3A_383 = vector.broadcast %and3A_382 : i32 to vector<16xi32>
        %and3A_384 = arith.andi %get3A_372, %and3A_383 : vector<16xi32>
        %swap3A_385 = arith.constant 1 : i32
        %swap3A_386 = arith.index_cast %swap3A_385 : i32 to index
        %swap3A_387 = arith.constant 48 : index
        %swap3A_388 = tpu.vector_load %arg7[%swap3A_386, %swap3A_387] {strides = array<i32>} : memref<2x128xi32, #tpu.memory_space<vmem>>, vector<1x16xi32>,
        %swap3A_389 = vector.shape_cast %swap3A_388 : vector<1x16xi32> to vector<16xi32>
        %swap3A_390 = vector.shape_cast %and3A_384 : vector<16xi32> to vector<1x16xi32>
        tpu.vector_store %arg7[%swap3A_386, %swap3A_387], %swap3A_390 {strides = array<i32>} : memref<2x128xi32, #tpu.memory_space<vmem>>, vector<1x16xi32>,
        %get3A_391 = arith.index_cast %add3A_302 : i32 to index
        %get3A_392 = arith.constant 64 : index
        %get3A_393 = tpu.vector_load %arg5[%get3A_391, %get3A_392] {strides = array<i32>} : memref<120x128xi32, #tpu.memory_space<vmem>>, vector<1x16xi32>,
        %get3A_394 = vector.shape_cast %get3A_393 : vector<1x16xi32> to vector<16xi32>
        %shift_right_logical3A_395 = arith.constant 14 : i32
        %shift_right_logical3A_396 = vector.broadcast %shift_right_logical3A_395 : i32 to vector<16xi32>
        %shift_right_logical3A_397 = arith.shrui %get3A_394, %shift_right_logical3A_396 : vector<16xi32>
        %swap3A_398 = arith.constant 1 : i32
        %swap3A_399 = arith.index_cast %swap3A_398 : i32 to index
        %swap3A_400 = arith.constant 64 : index
        %swap3A_401 = tpu.vector_load %arg6[%swap3A_399, %swap3A_400] {strides = array<i32>} : memref<2x128xi32, #tpu.memory_space<vmem>>, vector<1x16xi32>,
        %swap3A_402 = vector.shape_cast %swap3A_401 : vector<1x16xi32> to vector<16xi32>
        %swap3A_403 = vector.shape_cast %shift_right_logical3A_397 : vector<16xi32> to vector<1x16xi32>
        tpu.vector_store %arg6[%swap3A_399, %swap3A_400], %swap3A_403 {strides = array<i32>} : memref<2x128xi32, #tpu.memory_space<vmem>>, vector<1x16xi32>,
        %and3A_404 = arith.constant 16383 : i32
        %and3A_405 = vector.broadcast %and3A_404 : i32 to vector<16xi32>
        %and3A_406 = arith.andi %get3A_394, %and3A_405 : vector<16xi32>
        %swap3A_407 = arith.constant 1 : i32
        %swap3A_408 = arith.index_cast %swap3A_407 : i32 to index
        %swap3A_409 = arith.constant 64 : index
        %swap3A_410 = tpu.vector_load %arg7[%swap3A_408, %swap3A_409] {strides = array<i32>} : memref<2x128xi32, #tpu.memory_space<vmem>>, vector<1x16xi32>,
        %swap3A_411 = vector.shape_cast %swap3A_410 : vector<1x16xi32> to vector<16xi32>
        %swap3A_412 = vector.shape_cast %and3A_406 : vector<16xi32> to vector<1x16xi32>
        tpu.vector_store %arg7[%swap3A_408, %swap3A_409], %swap3A_412 {strides = array<i32>} : memref<2x128xi32, #tpu.memory_space<vmem>>, vector<1x16xi32>,
        %get3A_413 = arith.index_cast %add3A_302 : i32 to index
        %get3A_414 = arith.constant 80 : index
        %get3A_415 = tpu.vector_load %arg5[%get3A_413, %get3A_414] {strides = array<i32>} : memref<120x128xi32, #tpu.memory_space<vmem>>, vector<1x16xi32>,
        %get3A_416 = vector.shape_cast %get3A_415 : vector<1x16xi32> to vector<16xi32>
        %shift_right_logical3A_417 = arith.constant 14 : i32
        %shift_right_logical3A_418 = vector.broadcast %shift_right_logical3A_417 : i32 to vector<16xi32>
        %shift_right_logical3A_419 = arith.shrui %get3A_416, %shift_right_logical3A_418 : vector<16xi32>
        %swap3A_420 = arith.constant 1 : i32
        %swap3A_421 = arith.index_cast %swap3A_420 : i32 to index
        %swap3A_422 = arith.constant 80 : index
        %swap3A_423 = tpu.vector_load %arg6[%swap3A_421, %swap3A_422] {strides = array<i32>} : memref<2x128xi32, #tpu.memory_space<vmem>>, vector<1x16xi32>,
        %swap3A_424 = vector.shape_cast %swap3A_423 : vector<1x16xi32> to vector<16xi32>
        %swap3A_425 = vector.shape_cast %shift_right_logical3A_419 : vector<16xi32> to vector<1x16xi32>
        tpu.vector_store %arg6[%swap3A_421, %swap3A_422], %swap3A_425 {strides = array<i32>} : memref<2x128xi32, #tpu.memory_space<vmem>>, vector<1x16xi32>,
        %and3A_426 = arith.constant 16383 : i32
        %and3A_427 = vector.broadcast %and3A_426 : i32 to vector<16xi32>
        %and3A_428 = arith.andi %get3A_416, %and3A_427 : vector<16xi32>
        %swap3A_429 = arith.constant 1 : i32
        %swap3A_430 = arith.index_cast %swap3A_429 : i32 to index
        %swap3A_431 = arith.constant 80 : index
        %swap3A_432 = tpu.vector_load %arg7[%swap3A_430, %swap3A_431] {strides = array<i32>} : memref<2x128xi32, #tpu.memory_space<vmem>>, vector<1x16xi32>,
        %swap3A_433 = vector.shape_cast %swap3A_432 : vector<1x16xi32> to vector<16xi32>
        %swap3A_434 = vector.shape_cast %and3A_428 : vector<16xi32> to vector<1x16xi32>
        tpu.vector_store %arg7[%swap3A_430, %swap3A_431], %swap3A_434 {strides = array<i32>} : memref<2x128xi32, #tpu.memory_space<vmem>>, vector<1x16xi32>,
        %get3A_435 = arith.index_cast %add3A_302 : i32 to index
        %get3A_436 = arith.constant 96 : index
        %get3A_437 = tpu.vector_load %arg5[%get3A_435, %get3A_436] {strides = array<i32>} : memref<120x128xi32, #tpu.memory_space<vmem>>, vector<1x16xi32>,
        %get3A_438 = vector.shape_cast %get3A_437 : vector<1x16xi32> to vector<16xi32>
        %shift_right_logical3A_439 = arith.constant 14 : i32
        %shift_right_logical3A_440 = vector.broadcast %shift_right_logical3A_439 : i32 to vector<16xi32>
        %shift_right_logical3A_441 = arith.shrui %get3A_438, %shift_right_logical3A_440 : vector<16xi32>
        %swap3A_442 = arith.constant 1 : i32
        %swap3A_443 = arith.index_cast %swap3A_442 : i32 to index
        %swap3A_444 = arith.constant 96 : index
        %swap3A_445 = tpu.vector_load %arg6[%swap3A_443, %swap3A_444] {strides = array<i32>} : memref<2x128xi32, #tpu.memory_space<vmem>>, vector<1x16xi32>,
        %swap3A_446 = vector.shape_cast %swap3A_445 : vector<1x16xi32> to vector<16xi32>
        %swap3A_447 = vector.shape_cast %shift_right_logical3A_441 : vector<16xi32> to vector<1x16xi32>
        tpu.vector_store %arg6[%swap3A_443, %swap3A_444], %swap3A_447 {strides = array<i32>} : memref<2x128xi32, #tpu.memory_space<vmem>>, vector<1x16xi32>,
        %and3A_448 = arith.constant 16383 : i32
        %and3A_449 = vector.broadcast %and3A_448 : i32 to vector<16xi32>
        %and3A_450 = arith.andi %get3A_438, %and3A_449 : vector<16xi32>
        %swap3A_451 = arith.constant 1 : i32
        %swap3A_452 = arith.index_cast %swap3A_451 : i32 to index
        %swap3A_453 = arith.constant 96 : index
        %swap3A_454 = tpu.vector_load %arg7[%swap3A_452, %swap3A_453] {strides = array<i32>} : memref<2x128xi32, #tpu.memory_space<vmem>>, vector<1x16xi32>,
        %swap3A_455 = vector.shape_cast %swap3A_454 : vector<1x16xi32> to vector<16xi32>
        %swap3A_456 = vector.shape_cast %and3A_450 : vector<16xi32> to vector<1x16xi32>
        tpu.vector_store %arg7[%swap3A_452, %swap3A_453], %swap3A_456 {strides = array<i32>} : memref<2x128xi32, #tpu.memory_space<vmem>>, vector<1x16xi32>,
        %get3A_457 = arith.index_cast %add3A_302 : i32 to index
        %get3A_458 = arith.constant 112 : index
        %get3A_459 = tpu.vector_load %arg5[%get3A_457, %get3A_458] {strides = array<i32>} : memref<120x128xi32, #tpu.memory_space<vmem>>, vector<1x16xi32>,
        %get3A_460 = vector.shape_cast %get3A_459 : vector<1x16xi32> to vector<16xi32>
        %shift_right_logical3A_461 = arith.constant 14 : i32
        %shift_right_logical3A_462 = vector.broadcast %shift_right_logical3A_461 : i32 to vector<16xi32>
        %shift_right_logical3A_463 = arith.shrui %get3A_460, %shift_right_logical3A_462 : vector<16xi32>
        %swap3A_464 = arith.constant 1 : i32
        %swap3A_465 = arith.index_cast %swap3A_464 : i32 to index
        %swap3A_466 = arith.constant 112 : index
        %swap3A_467 = tpu.vector_load %arg6[%swap3A_465, %swap3A_466] {strides = array<i32>} : memref<2x128xi32, #tpu.memory_space<vmem>>, vector<1x16xi32>,
        %swap3A_468 = vector.shape_cast %swap3A_467 : vector<1x16xi32> to vector<16xi32>
        %swap3A_469 = vector.shape_cast %shift_right_logical3A_463 : vector<16xi32> to vector<1x16xi32>
        tpu.vector_store %arg6[%swap3A_465, %swap3A_466], %swap3A_469 {strides = array<i32>} : memref<2x128xi32, #tpu.memory_space<vmem>>, vector<1x16xi32>,
        %and3A_470 = arith.constant 16383 : i32
        %and3A_471 = vector.broadcast %and3A_470 : i32 to vector<16xi32>
        %and3A_472 = arith.andi %get3A_460, %and3A_471 : vector<16xi32>
        %swap3A_473 = arith.constant 1 : i32
        %swap3A_474 = arith.index_cast %swap3A_473 : i32 to index
        %swap3A_475 = arith.constant 112 : index
        %swap3A_476 = tpu.vector_load %arg7[%swap3A_474, %swap3A_475] {strides = array<i32>} : memref<2x128xi32, #tpu.memory_space<vmem>>, vector<1x16xi32>,
        %swap3A_477 = vector.shape_cast %swap3A_476 : vector<1x16xi32> to vector<16xi32>
        %swap3A_478 = vector.shape_cast %and3A_472 : vector<16xi32> to vector<1x16xi32>
        tpu.vector_store %arg7[%swap3A_474, %swap3A_475], %swap3A_478 {strides = array<i32>} : memref<2x128xi32, #tpu.memory_space<vmem>>, vector<1x16xi32>,
        %ge3A = arith.constant 1 : i32
        %ge3A_479 = arith.cmpi sge, %add3A_257, %ge3A : i32
        %convert_element_type3A_480 = arith.extui %ge3A_479 : i1 to i32
        %cond3A_481 = arith.constant 0 : i32
        %cond3A_482 = arith.cmpi ne, %convert_element_type3A_480, %cond3A_481 : i32
        scf.if %cond3A_482 {
          %dma_wait3A_490 = arith.constant 1 : i32
          %dma_wait3A_491 = arith.constant 0 : i32
          %dma_wait3A_492 = tpu.memref_slice %arg7[%dma_wait3A_490, %dma_wait3A_491] : memref<2x128xi32, #tpu.memory_space<vmem>> -> memref<1x128xi32, #tpu.memory_space<vmem>>
          %dma_wait3A_493 = tpu.memref_squeeze %dma_wait3A_492 : memref<1x128xi32, #tpu.memory_space<vmem>> -> memref<128xi32, #tpu.memory_space<vmem>>
          %dma_wait3A_494 = arith.constant 0 : i32
          %dma_wait3A_495 = arith.constant 0 : i32
          %dma_wait3A_496 = tpu.memref_slice %arg10[%dma_wait3A_494, %dma_wait3A_495] : memref<10240x128xf32, #tpu.memory_space<vmem_shared>> -> memref<10240x128xf32, #tpu.memory_space<vmem_shared>>
          tpu.wait_indirect_dma semaphore(%arg14 : memref<!tpu.dma_semaphore, #tpu.memory_space<semaphore_mem>>) src(%arg9 : memref<128x128xf32, #tpu.memory_space<vmem>>) dst(%dma_wait3A_496 : memref<10240x128xf32, #tpu.memory_space<vmem_shared>>)
        } else {
        }
        %dma_start3A_483 = arith.constant 1 : i32
        %dma_start3A_484 = arith.constant 0 : i32
        %dma_start3A_485 = tpu.memref_slice %arg6[%dma_start3A_483, %dma_start3A_484] : memref<2x128xi32, #tpu.memory_space<vmem>> -> memref<1x128xi32, #tpu.memory_space<vmem>>
        %dma_start3A_486 = tpu.memref_squeeze %dma_start3A_485 : memref<1x128xi32, #tpu.memory_space<vmem>> -> memref<128xi32, #tpu.memory_space<vmem>>
        %dma_start3A_487 = arith.constant 0 : i32
        %dma_start3A_488 = arith.constant 0 : i32
        %dma_start3A_489 = tpu.memref_slice %arg2[%dma_start3A_487, %dma_start3A_488] : memref<10240x128xf32, #tpu.memory_space<hbm>> -> memref<10240x128xf32, #tpu.memory_space<hbm>>
        tpu.enqueue_indirect_dma source(%dma_start3A_489 : memref<10240x128xf32, #tpu.memory_space<hbm>>) target(%arg9 : memref<128x128xf32, #tpu.memory_space<vmem>>) offsets(%dma_start3A_486 : memref<128xi32, #tpu.memory_space<vmem>>) semaphore(%arg12 : memref<!tpu.dma_semaphore, #tpu.memory_space<semaphore_mem>>)
      } else {
      }
      %mul3A_277 = arith.constant 2 : i32
      %mul3A_278 = arith.muli %mul3A_277, %while3A_253 : i32
      %add3A_279 = arith.constant 1 : i32
      %add3A_280 = arith.addi %mul3A_278, %add3A_279 : i32
      %dma_wait3A_281 = arith.constant 1 : i32
      %dma_wait3A_282 = arith.constant 0 : i32
      %dma_wait3A_283 = tpu.memref_slice %arg6[%dma_wait3A_281, %dma_wait3A_282] : memref<2x128xi32, #tpu.memory_space<vmem>> -> memref<1x128xi32, #tpu.memory_space<vmem>>
      %dma_wait3A_284 = tpu.memref_squeeze %dma_wait3A_283 : memref<1x128xi32, #tpu.memory_space<vmem>> -> memref<128xi32, #tpu.memory_space<vmem>>
      %dma_wait3A_285 = arith.constant 0 : i32
      %dma_wait3A_286 = arith.constant 0 : i32
      %dma_wait3A_287 = tpu.memref_slice %arg2[%dma_wait3A_285, %dma_wait3A_286] : memref<10240x128xf32, #tpu.memory_space<hbm>> -> memref<10240x128xf32, #tpu.memory_space<hbm>>
      tpu.wait_indirect_dma semaphore(%arg12 : memref<!tpu.dma_semaphore, #tpu.memory_space<semaphore_mem>>) src(%dma_wait3A_287 : memref<10240x128xf32, #tpu.memory_space<hbm>>) dst(%arg9 : memref<128x128xf32, #tpu.memory_space<vmem>>)
      %dma_start3A_288 = arith.constant 1 : i32
      %dma_start3A_289 = arith.constant 0 : i32
      %dma_start3A_290 = tpu.memref_slice %arg7[%dma_start3A_288, %dma_start3A_289] : memref<2x128xi32, #tpu.memory_space<vmem>> -> memref<1x128xi32, #tpu.memory_space<vmem>>
      %dma_start3A_291 = tpu.memref_squeeze %dma_start3A_290 : memref<1x128xi32, #tpu.memory_space<vmem>> -> memref<128xi32, #tpu.memory_space<vmem>>
      %dma_start3A_292 = arith.constant 0 : i32
      %dma_start3A_293 = arith.constant 0 : i32
      %dma_start3A_294 = tpu.memref_slice %arg10[%dma_start3A_292, %dma_start3A_293] : memref<10240x128xf32, #tpu.memory_space<vmem_shared>> -> memref<10240x128xf32, #tpu.memory_space<vmem_shared>>
      tpu.enqueue_indirect_dma source(%arg9 : memref<128x128xf32, #tpu.memory_space<vmem>>) target(%dma_start3A_294 : memref<10240x128xf32, #tpu.memory_space<vmem_shared>>) offsets(%dma_start3A_291 : memref<128xi32, #tpu.memory_space<vmem>>) semaphore(%arg14 : memref<!tpu.dma_semaphore, #tpu.memory_space<semaphore_mem>>) {add = true}
      %add3A_295 = arith.constant 1 : i32
      %add3A_296 = arith.addi %add3A_280, %add3A_295 : i32
      %lt3A_297 = arith.cmpi slt, %add3A_296, %select_n3A_10 : i32
      %convert_element_type3A_298 = arith.extui %lt3A_297 : i1 to i32
      %cond3A_299 = arith.constant 0 : i32
      %cond3A_300 = arith.cmpi ne, %convert_element_type3A_298, %cond3A_299 : i32
      scf.if %cond3A_300 {
        %add3A_301 = arith.constant 1 : i32
        %add3A_302 = arith.addi %add3A_280, %add3A_301 : i32
        %get3A_303 = arith.index_cast %add3A_302 : i32 to index
        %get3A_304 = arith.constant 0 : index
        %get3A_305 = tpu.vector_load %arg5[%get3A_303, %get3A_304] {strides = array<i32>} : memref<120x128xi32, #tpu.memory_space<vmem>>, vector<1x16xi32>,
        %get3A_306 = vector.shape_cast %get3A_305 : vector<1x16xi32> to vector<16xi32>
        %shift_right_logical3A_307 = arith.constant 14 : i32
        %shift_right_logical3A_308 = vector.broadcast %shift_right_logical3A_307 : i32 to vector<16xi32>
        %shift_right_logical3A_309 = arith.shrui %get3A_306, %shift_right_logical3A_308 : vector<16xi32>
        %swap3A_310 = arith.constant 0 : i32
        %swap3A_311 = arith.index_cast %swap3A_310 : i32 to index
        %swap3A_312 = arith.constant 0 : index
        %swap3A_313 = tpu.vector_load %arg6[%swap3A_311, %swap3A_312] {strides = array<i32>} : memref<2x128xi32, #tpu.memory_space<vmem>>, vector<1x16xi32>,
        %swap3A_314 = vector.shape_cast %swap3A_313 : vector<1x16xi32> to vector<16xi32>
        %swap3A_315 = vector.shape_cast %shift_right_logical3A_309 : vector<16xi32> to vector<1x16xi32>
        tpu.vector_store %arg6[%swap3A_311, %swap3A_312], %swap3A_315 {strides = array<i32>} : memref<2x128xi32, #tpu.memory_space<vmem>>, vector<1x16xi32>,
        %and3A_316 = arith.constant 16383 : i32
        %and3A_317 = vector.broadcast %and3A_316 : i32 to vector<16xi32>
        %and3A_318 = arith.andi %get3A_306, %and3A_317 : vector<16xi32>
        %swap3A_319 = arith.constant 0 : i32
        %swap3A_320 = arith.index_cast %swap3A_319 : i32 to index
        %swap3A_321 = arith.constant 0 : index
        %swap3A_322 = tpu.vector_load %arg7[%swap3A_320, %swap3A_321] {strides = array<i32>} : memref<2x128xi32, #tpu.memory_space<vmem>>, vector<1x16xi32>,
        %swap3A_323 = vector.shape_cast %swap3A_322 : vector<1x16xi32> to vector<16xi32>
        %swap3A_324 = vector.shape_cast %and3A_318 : vector<16xi32> to vector<1x16xi32>
        tpu.vector_store %arg7[%swap3A_320, %swap3A_321], %swap3A_324 {strides = array<i32>} : memref<2x128xi32, #tpu.memory_space<vmem>>, vector<1x16xi32>,
        %get3A_325 = arith.index_cast %add3A_302 : i32 to index
        %get3A_326 = arith.constant 16 : index
        %get3A_327 = tpu.vector_load %arg5[%get3A_325, %get3A_326] {strides = array<i32>} : memref<120x128xi32, #tpu.memory_space<vmem>>, vector<1x16xi32>,
        %get3A_328 = vector.shape_cast %get3A_327 : vector<1x16xi32> to vector<16xi32>
        %shift_right_logical3A_329 = arith.constant 14 : i32
        %shift_right_logical3A_330 = vector.broadcast %shift_right_logical3A_329 : i32 to vector<16xi32>
        %shift_right_logical3A_331 = arith.shrui %get3A_328, %shift_right_logical3A_330 : vector<16xi32>
        %swap3A_332 = arith.constant 0 : i32
        %swap3A_333 = arith.index_cast %swap3A_332 : i32 to index
        %swap3A_334 = arith.constant 16 : index
        %swap3A_335 = tpu.vector_load %arg6[%swap3A_333, %swap3A_334] {strides = array<i32>} : memref<2x128xi32, #tpu.memory_space<vmem>>, vector<1x16xi32>,
        %swap3A_336 = vector.shape_cast %swap3A_335 : vector<1x16xi32> to vector<16xi32>
        %swap3A_337 = vector.shape_cast %shift_right_logical3A_331 : vector<16xi32> to vector<1x16xi32>
        tpu.vector_store %arg6[%swap3A_333, %swap3A_334], %swap3A_337 {strides = array<i32>} : memref<2x128xi32, #tpu.memory_space<vmem>>, vector<1x16xi32>,
        %and3A_338 = arith.constant 16383 : i32
        %and3A_339 = vector.broadcast %and3A_338 : i32 to vector<16xi32>
        %and3A_340 = arith.andi %get3A_328, %and3A_339 : vector<16xi32>
        %swap3A_341 = arith.constant 0 : i32
        %swap3A_342 = arith.index_cast %swap3A_341 : i32 to index
        %swap3A_343 = arith.constant 16 : index
        %swap3A_344 = tpu.vector_load %arg7[%swap3A_342, %swap3A_343] {strides = array<i32>} : memref<2x128xi32, #tpu.memory_space<vmem>>, vector<1x16xi32>,
        %swap3A_345 = vector.shape_cast %swap3A_344 : vector<1x16xi32> to vector<16xi32>
        %swap3A_346 = vector.shape_cast %and3A_340 : vector<16xi32> to vector<1x16xi32>
        tpu.vector_store %arg7[%swap3A_342, %swap3A_343], %swap3A_346 {strides = array<i32>} : memref<2x128xi32, #tpu.memory_space<vmem>>, vector<1x16xi32>,
        %get3A_347 = arith.index_cast %add3A_302 : i32 to index
        %get3A_348 = arith.constant 32 : index
        %get3A_349 = tpu.vector_load %arg5[%get3A_347, %get3A_348] {strides = array<i32>} : memref<120x128xi32, #tpu.memory_space<vmem>>, vector<1x16xi32>,
        %get3A_350 = vector.shape_cast %get3A_349 : vector<1x16xi32> to vector<16xi32>
        %shift_right_logical3A_351 = arith.constant 14 : i32
        %shift_right_logical3A_352 = vector.broadcast %shift_right_logical3A_351 : i32 to vector<16xi32>
        %shift_right_logical3A_353 = arith.shrui %get3A_350, %shift_right_logical3A_352 : vector<16xi32>
        %swap3A_354 = arith.constant 0 : i32
        %swap3A_355 = arith.index_cast %swap3A_354 : i32 to index
        %swap3A_356 = arith.constant 32 : index
        %swap3A_357 = tpu.vector_load %arg6[%swap3A_355, %swap3A_356] {strides = array<i32>} : memref<2x128xi32, #tpu.memory_space<vmem>>, vector<1x16xi32>,
        %swap3A_358 = vector.shape_cast %swap3A_357 : vector<1x16xi32> to vector<16xi32>
        %swap3A_359 = vector.shape_cast %shift_right_logical3A_353 : vector<16xi32> to vector<1x16xi32>
        tpu.vector_store %arg6[%swap3A_355, %swap3A_356], %swap3A_359 {strides = array<i32>} : memref<2x128xi32, #tpu.memory_space<vmem>>, vector<1x16xi32>,
        %and3A_360 = arith.constant 16383 : i32
        %and3A_361 = vector.broadcast %and3A_360 : i32 to vector<16xi32>
        %and3A_362 = arith.andi %get3A_350, %and3A_361 : vector<16xi32>
        %swap3A_363 = arith.constant 0 : i32
        %swap3A_364 = arith.index_cast %swap3A_363 : i32 to index
        %swap3A_365 = arith.constant 32 : index
        %swap3A_366 = tpu.vector_load %arg7[%swap3A_364, %swap3A_365] {strides = array<i32>} : memref<2x128xi32, #tpu.memory_space<vmem>>, vector<1x16xi32>,
        %swap3A_367 = vector.shape_cast %swap3A_366 : vector<1x16xi32> to vector<16xi32>
        %swap3A_368 = vector.shape_cast %and3A_362 : vector<16xi32> to vector<1x16xi32>
        tpu.vector_store %arg7[%swap3A_364, %swap3A_365], %swap3A_368 {strides = array<i32>} : memref<2x128xi32, #tpu.memory_space<vmem>>, vector<1x16xi32>,
        %get3A_369 = arith.index_cast %add3A_302 : i32 to index
        %get3A_370 = arith.constant 48 : index
        %get3A_371 = tpu.vector_load %arg5[%get3A_369, %get3A_370] {strides = array<i32>} : memref<120x128xi32, #tpu.memory_space<vmem>>, vector<1x16xi32>,
        %get3A_372 = vector.shape_cast %get3A_371 : vector<1x16xi32> to vector<16xi32>
        %shift_right_logical3A_373 = arith.constant 14 : i32
        %shift_right_logical3A_374 = vector.broadcast %shift_right_logical3A_373 : i32 to vector<16xi32>
        %shift_right_logical3A_375 = arith.shrui %get3A_372, %shift_right_logical3A_374 : vector<16xi32>
        %swap3A_376 = arith.constant 0 : i32
        %swap3A_377 = arith.index_cast %swap3A_376 : i32 to index
        %swap3A_378 = arith.constant 48 : index
        %swap3A_379 = tpu.vector_load %arg6[%swap3A_377, %swap3A_378] {strides = array<i32>} : memref<2x128xi32, #tpu.memory_space<vmem>>, vector<1x16xi32>,
        %swap3A_380 = vector.shape_cast %swap3A_379 : vector<1x16xi32> to vector<16xi32>
        %swap3A_381 = vector.shape_cast %shift_right_logical3A_375 : vector<16xi32> to vector<1x16xi32>
        tpu.vector_store %arg6[%swap3A_377, %swap3A_378], %swap3A_381 {strides = array<i32>} : memref<2x128xi32, #tpu.memory_space<vmem>>, vector<1x16xi32>,
        %and3A_382 = arith.constant 16383 : i32
        %and3A_383 = vector.broadcast %and3A_382 : i32 to vector<16xi32>
        %and3A_384 = arith.andi %get3A_372, %and3A_383 : vector<16xi32>
        %swap3A_385 = arith.constant 0 : i32
        %swap3A_386 = arith.index_cast %swap3A_385 : i32 to index
        %swap3A_387 = arith.constant 48 : index
        %swap3A_388 = tpu.vector_load %arg7[%swap3A_386, %swap3A_387] {strides = array<i32>} : memref<2x128xi32, #tpu.memory_space<vmem>>, vector<1x16xi32>,
        %swap3A_389 = vector.shape_cast %swap3A_388 : vector<1x16xi32> to vector<16xi32>
        %swap3A_390 = vector.shape_cast %and3A_384 : vector<16xi32> to vector<1x16xi32>
        tpu.vector_store %arg7[%swap3A_386, %swap3A_387], %swap3A_390 {strides = array<i32>} : memref<2x128xi32, #tpu.memory_space<vmem>>, vector<1x16xi32>,
        %get3A_391 = arith.index_cast %add3A_302 : i32 to index
        %get3A_392 = arith.constant 64 : index
        %get3A_393 = tpu.vector_load %arg5[%get3A_391, %get3A_392] {strides = array<i32>} : memref<120x128xi32, #tpu.memory_space<vmem>>, vector<1x16xi32>,
        %get3A_394 = vector.shape_cast %get3A_393 : vector<1x16xi32> to vector<16xi32>
        %shift_right_logical3A_395 = arith.constant 14 : i32
        %shift_right_logical3A_396 = vector.broadcast %shift_right_logical3A_395 : i32 to vector<16xi32>
        %shift_right_logical3A_397 = arith.shrui %get3A_394, %shift_right_logical3A_396 : vector<16xi32>
        %swap3A_398 = arith.constant 0 : i32
        %swap3A_399 = arith.index_cast %swap3A_398 : i32 to index
        %swap3A_400 = arith.constant 64 : index
        %swap3A_401 = tpu.vector_load %arg6[%swap3A_399, %swap3A_400] {strides = array<i32>} : memref<2x128xi32, #tpu.memory_space<vmem>>, vector<1x16xi32>,
        %swap3A_402 = vector.shape_cast %swap3A_401 : vector<1x16xi32> to vector<16xi32>
        %swap3A_403 = vector.shape_cast %shift_right_logical3A_397 : vector<16xi32> to vector<1x16xi32>
        tpu.vector_store %arg6[%swap3A_399, %swap3A_400], %swap3A_403 {strides = array<i32>} : memref<2x128xi32, #tpu.memory_space<vmem>>, vector<1x16xi32>,
        %and3A_404 = arith.constant 16383 : i32
        %and3A_405 = vector.broadcast %and3A_404 : i32 to vector<16xi32>
        %and3A_406 = arith.andi %get3A_394, %and3A_405 : vector<16xi32>
        %swap3A_407 = arith.constant 0 : i32
        %swap3A_408 = arith.index_cast %swap3A_407 : i32 to index
        %swap3A_409 = arith.constant 64 : index
        %swap3A_410 = tpu.vector_load %arg7[%swap3A_408, %swap3A_409] {strides = array<i32>} : memref<2x128xi32, #tpu.memory_space<vmem>>, vector<1x16xi32>,
        %swap3A_411 = vector.shape_cast %swap3A_410 : vector<1x16xi32> to vector<16xi32>
        %swap3A_412 = vector.shape_cast %and3A_406 : vector<16xi32> to vector<1x16xi32>
        tpu.vector_store %arg7[%swap3A_408, %swap3A_409], %swap3A_412 {strides = array<i32>} : memref<2x128xi32, #tpu.memory_space<vmem>>, vector<1x16xi32>,
        %get3A_413 = arith.index_cast %add3A_302 : i32 to index
        %get3A_414 = arith.constant 80 : index
        %get3A_415 = tpu.vector_load %arg5[%get3A_413, %get3A_414] {strides = array<i32>} : memref<120x128xi32, #tpu.memory_space<vmem>>, vector<1x16xi32>,
        %get3A_416 = vector.shape_cast %get3A_415 : vector<1x16xi32> to vector<16xi32>
        %shift_right_logical3A_417 = arith.constant 14 : i32
        %shift_right_logical3A_418 = vector.broadcast %shift_right_logical3A_417 : i32 to vector<16xi32>
        %shift_right_logical3A_419 = arith.shrui %get3A_416, %shift_right_logical3A_418 : vector<16xi32>
        %swap3A_420 = arith.constant 0 : i32
        %swap3A_421 = arith.index_cast %swap3A_420 : i32 to index
        %swap3A_422 = arith.constant 80 : index
        %swap3A_423 = tpu.vector_load %arg6[%swap3A_421, %swap3A_422] {strides = array<i32>} : memref<2x128xi32, #tpu.memory_space<vmem>>, vector<1x16xi32>,
        %swap3A_424 = vector.shape_cast %swap3A_423 : vector<1x16xi32> to vector<16xi32>
        %swap3A_425 = vector.shape_cast %shift_right_logical3A_419 : vector<16xi32> to vector<1x16xi32>
        tpu.vector_store %arg6[%swap3A_421, %swap3A_422], %swap3A_425 {strides = array<i32>} : memref<2x128xi32, #tpu.memory_space<vmem>>, vector<1x16xi32>,
        %and3A_426 = arith.constant 16383 : i32
        %and3A_427 = vector.broadcast %and3A_426 : i32 to vector<16xi32>
        %and3A_428 = arith.andi %get3A_416, %and3A_427 : vector<16xi32>
        %swap3A_429 = arith.constant 0 : i32
        %swap3A_430 = arith.index_cast %swap3A_429 : i32 to index
        %swap3A_431 = arith.constant 80 : index
        %swap3A_432 = tpu.vector_load %arg7[%swap3A_430, %swap3A_431] {strides = array<i32>} : memref<2x128xi32, #tpu.memory_space<vmem>>, vector<1x16xi32>,
        %swap3A_433 = vector.shape_cast %swap3A_432 : vector<1x16xi32> to vector<16xi32>
        %swap3A_434 = vector.shape_cast %and3A_428 : vector<16xi32> to vector<1x16xi32>
        tpu.vector_store %arg7[%swap3A_430, %swap3A_431], %swap3A_434 {strides = array<i32>} : memref<2x128xi32, #tpu.memory_space<vmem>>, vector<1x16xi32>,
        %get3A_435 = arith.index_cast %add3A_302 : i32 to index
        %get3A_436 = arith.constant 96 : index
        %get3A_437 = tpu.vector_load %arg5[%get3A_435, %get3A_436] {strides = array<i32>} : memref<120x128xi32, #tpu.memory_space<vmem>>, vector<1x16xi32>,
        %get3A_438 = vector.shape_cast %get3A_437 : vector<1x16xi32> to vector<16xi32>
        %shift_right_logical3A_439 = arith.constant 14 : i32
        %shift_right_logical3A_440 = vector.broadcast %shift_right_logical3A_439 : i32 to vector<16xi32>
        %shift_right_logical3A_441 = arith.shrui %get3A_438, %shift_right_logical3A_440 : vector<16xi32>
        %swap3A_442 = arith.constant 0 : i32
        %swap3A_443 = arith.index_cast %swap3A_442 : i32 to index
        %swap3A_444 = arith.constant 96 : index
        %swap3A_445 = tpu.vector_load %arg6[%swap3A_443, %swap3A_444] {strides = array<i32>} : memref<2x128xi32, #tpu.memory_space<vmem>>, vector<1x16xi32>,
        %swap3A_446 = vector.shape_cast %swap3A_445 : vector<1x16xi32> to vector<16xi32>
        %swap3A_447 = vector.shape_cast %shift_right_logical3A_441 : vector<16xi32> to vector<1x16xi32>
        tpu.vector_store %arg6[%swap3A_443, %swap3A_444], %swap3A_447 {strides = array<i32>} : memref<2x128xi32, #tpu.memory_space<vmem>>, vector<1x16xi32>,
        %and3A_448 = arith.constant 16383 : i32
        %and3A_449 = vector.broadcast %and3A_448 : i32 to vector<16xi32>
        %and3A_450 = arith.andi %get3A_438, %and3A_449 : vector<16xi32>
        %swap3A_451 = arith.constant 0 : i32
        %swap3A_452 = arith.index_cast %swap3A_451 : i32 to index
        %swap3A_453 = arith.constant 96 : index
        %swap3A_454 = tpu.vector_load %arg7[%swap3A_452, %swap3A_453] {strides = array<i32>} : memref<2x128xi32, #tpu.memory_space<vmem>>, vector<1x16xi32>,
        %swap3A_455 = vector.shape_cast %swap3A_454 : vector<1x16xi32> to vector<16xi32>
        %swap3A_456 = vector.shape_cast %and3A_450 : vector<16xi32> to vector<1x16xi32>
        tpu.vector_store %arg7[%swap3A_452, %swap3A_453], %swap3A_456 {strides = array<i32>} : memref<2x128xi32, #tpu.memory_space<vmem>>, vector<1x16xi32>,
        %get3A_457 = arith.index_cast %add3A_302 : i32 to index
        %get3A_458 = arith.constant 112 : index
        %get3A_459 = tpu.vector_load %arg5[%get3A_457, %get3A_458] {strides = array<i32>} : memref<120x128xi32, #tpu.memory_space<vmem>>, vector<1x16xi32>,
        %get3A_460 = vector.shape_cast %get3A_459 : vector<1x16xi32> to vector<16xi32>
        %shift_right_logical3A_461 = arith.constant 14 : i32
        %shift_right_logical3A_462 = vector.broadcast %shift_right_logical3A_461 : i32 to vector<16xi32>
        %shift_right_logical3A_463 = arith.shrui %get3A_460, %shift_right_logical3A_462 : vector<16xi32>
        %swap3A_464 = arith.constant 0 : i32
        %swap3A_465 = arith.index_cast %swap3A_464 : i32 to index
        %swap3A_466 = arith.constant 112 : index
        %swap3A_467 = tpu.vector_load %arg6[%swap3A_465, %swap3A_466] {strides = array<i32>} : memref<2x128xi32, #tpu.memory_space<vmem>>, vector<1x16xi32>,
        %swap3A_468 = vector.shape_cast %swap3A_467 : vector<1x16xi32> to vector<16xi32>
        %swap3A_469 = vector.shape_cast %shift_right_logical3A_463 : vector<16xi32> to vector<1x16xi32>
        tpu.vector_store %arg6[%swap3A_465, %swap3A_466], %swap3A_469 {strides = array<i32>} : memref<2x128xi32, #tpu.memory_space<vmem>>, vector<1x16xi32>,
        %and3A_470 = arith.constant 16383 : i32
        %and3A_471 = vector.broadcast %and3A_470 : i32 to vector<16xi32>
        %and3A_472 = arith.andi %get3A_460, %and3A_471 : vector<16xi32>
        %swap3A_473 = arith.constant 0 : i32
        %swap3A_474 = arith.index_cast %swap3A_473 : i32 to index
        %swap3A_475 = arith.constant 112 : index
        %swap3A_476 = tpu.vector_load %arg7[%swap3A_474, %swap3A_475] {strides = array<i32>} : memref<2x128xi32, #tpu.memory_space<vmem>>, vector<1x16xi32>,
        %swap3A_477 = vector.shape_cast %swap3A_476 : vector<1x16xi32> to vector<16xi32>
        %swap3A_478 = vector.shape_cast %and3A_472 : vector<16xi32> to vector<1x16xi32>
        tpu.vector_store %arg7[%swap3A_474, %swap3A_475], %swap3A_478 {strides = array<i32>} : memref<2x128xi32, #tpu.memory_space<vmem>>, vector<1x16xi32>,
        %ge3A = arith.constant 1 : i32
        %ge3A_479 = arith.cmpi sge, %add3A_280, %ge3A : i32
        %convert_element_type3A_480 = arith.extui %ge3A_479 : i1 to i32
        %cond3A_481 = arith.constant 0 : i32
        %cond3A_482 = arith.cmpi ne, %convert_element_type3A_480, %cond3A_481 : i32
        scf.if %cond3A_482 {
          %dma_wait3A_490 = arith.constant 0 : i32
          %dma_wait3A_491 = arith.constant 0 : i32
          %dma_wait3A_492 = tpu.memref_slice %arg7[%dma_wait3A_490, %dma_wait3A_491] : memref<2x128xi32, #tpu.memory_space<vmem>> -> memref<1x128xi32, #tpu.memory_space<vmem>>
          %dma_wait3A_493 = tpu.memref_squeeze %dma_wait3A_492 : memref<1x128xi32, #tpu.memory_space<vmem>> -> memref<128xi32, #tpu.memory_space<vmem>>
          %dma_wait3A_494 = arith.constant 0 : i32
          %dma_wait3A_495 = arith.constant 0 : i32
          %dma_wait3A_496 = tpu.memref_slice %arg10[%dma_wait3A_494, %dma_wait3A_495] : memref<10240x128xf32, #tpu.memory_space<vmem_shared>> -> memref<10240x128xf32, #tpu.memory_space<vmem_shared>>
          tpu.wait_indirect_dma semaphore(%arg13 : memref<!tpu.dma_semaphore, #tpu.memory_space<semaphore_mem>>) src(%arg8 : memref<128x128xf32, #tpu.memory_space<vmem>>) dst(%dma_wait3A_496 : memref<10240x128xf32, #tpu.memory_space<vmem_shared>>)
        } else {
        }
        %dma_start3A_483 = arith.constant 0 : i32
        %dma_start3A_484 = arith.constant 0 : i32
        %dma_start3A_485 = tpu.memref_slice %arg6[%dma_start3A_483, %dma_start3A_484] : memref<2x128xi32, #tpu.memory_space<vmem>> -> memref<1x128xi32, #tpu.memory_space<vmem>>
        %dma_start3A_486 = tpu.memref_squeeze %dma_start3A_485 : memref<1x128xi32, #tpu.memory_space<vmem>> -> memref<128xi32, #tpu.memory_space<vmem>>
        %dma_start3A_487 = arith.constant 0 : i32
        %dma_start3A_488 = arith.constant 0 : i32
        %dma_start3A_489 = tpu.memref_slice %arg2[%dma_start3A_487, %dma_start3A_488] : memref<10240x128xf32, #tpu.memory_space<hbm>> -> memref<10240x128xf32, #tpu.memory_space<hbm>>
        tpu.enqueue_indirect_dma source(%dma_start3A_489 : memref<10240x128xf32, #tpu.memory_space<hbm>>) target(%arg8 : memref<128x128xf32, #tpu.memory_space<vmem>>) offsets(%dma_start3A_486 : memref<128xi32, #tpu.memory_space<vmem>>) semaphore(%arg11 : memref<!tpu.dma_semaphore, #tpu.memory_space<semaphore_mem>>)
      } else {
      }
    }
    %dma_wait3A = arith.constant 0 : i32
    %dma_wait3A_235 = arith.constant 0 : i32
    %dma_wait3A_236 = tpu.memref_slice %arg7[%dma_wait3A, %dma_wait3A_235] : memref<2x128xi32, #tpu.memory_space<vmem>> -> memref<1x128xi32, #tpu.memory_space<vmem>>
    %dma_wait3A_237 = tpu.memref_squeeze %dma_wait3A_236 : memref<1x128xi32, #tpu.memory_space<vmem>> -> memref<128xi32, #tpu.memory_space<vmem>>
    %dma_wait3A_238 = arith.constant 0 : i32
    %dma_wait3A_239 = arith.constant 0 : i32
    %dma_wait3A_240 = tpu.memref_slice %arg10[%dma_wait3A_238, %dma_wait3A_239] : memref<10240x128xf32, #tpu.memory_space<vmem_shared>> -> memref<10240x128xf32, #tpu.memory_space<vmem_shared>>
    tpu.wait_indirect_dma semaphore(%arg13 : memref<!tpu.dma_semaphore, #tpu.memory_space<semaphore_mem>>) src(%arg8 : memref<128x128xf32, #tpu.memory_space<vmem>>) dst(%dma_wait3A_240 : memref<10240x128xf32, #tpu.memory_space<vmem_shared>>)
    %dma_wait3A_241 = arith.constant 1 : i32
    %dma_wait3A_242 = arith.constant 0 : i32
    %dma_wait3A_243 = tpu.memref_slice %arg7[%dma_wait3A_241, %dma_wait3A_242] : memref<2x128xi32, #tpu.memory_space<vmem>> -> memref<1x128xi32, #tpu.memory_space<vmem>>
    %dma_wait3A_244 = tpu.memref_squeeze %dma_wait3A_243 : memref<1x128xi32, #tpu.memory_space<vmem>> -> memref<128xi32, #tpu.memory_space<vmem>>
    %dma_wait3A_245 = arith.constant 0 : i32
    %dma_wait3A_246 = arith.constant 0 : i32
    %dma_wait3A_247 = tpu.memref_slice %arg10[%dma_wait3A_245, %dma_wait3A_246] : memref<10240x128xf32, #tpu.memory_space<vmem_shared>> -> memref<10240x128xf32, #tpu.memory_space<vmem_shared>>
    tpu.wait_indirect_dma semaphore(%arg14 : memref<!tpu.dma_semaphore, #tpu.memory_space<semaphore_mem>>) src(%arg9 : memref<128x128xf32, #tpu.memory_space<vmem>>) dst(%dma_wait3A_247 : memref<10240x128xf32, #tpu.memory_space<vmem_shared>>)
    %barrier3A_248 = arith.constant 0 : index
    tpu.barrier barrier_id(%barrier3A_248)
    %mul3A_249 = arith.constant 640 : i32
    %mul3A_250 = arith.muli %arg1, %mul3A_249 : i32
    %mul3A_251 = arith.constant 640 : i32
    %mul3A_252 = arith.muli %arg1, %mul3A_251 : i32
    "tpu.region"() ({
      %run_scoped3A = tpu.sem_alloc : memref<!tpu.dma_semaphore, #tpu.memory_space<semaphore_mem>>
      %dma_start3A_253 = arith.constant 0 : i32
      %dma_start3A_254 = tpu.memref_slice %arg4[%arg0, %mul3A_252, %dma_start3A_253] : memref<2x10240x128xf32, #tpu.memory_space<hbm>> -> memref<1x640x128xf32, #tpu.memory_space<hbm>>
      %dma_start3A_255 = tpu.memref_squeeze %dma_start3A_254 : memref<1x640x128xf32, #tpu.memory_space<hbm>> -> memref<640x128xf32, #tpu.memory_space<hbm>>
      %dma_start3A_256 = arith.constant 0 : i32
      %dma_start3A_257 = tpu.memref_slice %arg10[%mul3A_250, %dma_start3A_256] : memref<10240x128xf32, #tpu.memory_space<vmem_shared>> -> memref<640x128xf32, #tpu.memory_space<vmem_shared>>
      tpu.enqueue_dma source(%dma_start3A_257 : memref<640x128xf32, #tpu.memory_space<vmem_shared>>) target(%dma_start3A_255 : memref<640x128xf32, #tpu.memory_space<hbm>>) target_semaphore(%run_scoped3A : memref<!tpu.dma_semaphore, #tpu.memory_space<semaphore_mem>>)
      %dma_wait3A_258 = arith.constant 0 : i32
      %dma_wait3A_259 = tpu.memref_slice %arg4[%arg0, %mul3A_252, %dma_wait3A_258] : memref<2x10240x128xf32, #tpu.memory_space<hbm>> -> memref<1x640x128xf32, #tpu.memory_space<hbm>>
      %dma_wait3A_260 = tpu.memref_squeeze %dma_wait3A_259 : memref<1x640x128xf32, #tpu.memory_space<hbm>> -> memref<640x128xf32, #tpu.memory_space<hbm>>
      %dma_wait3A_261 = arith.constant 0 : i32
      %dma_wait3A_262 = tpu.memref_slice %arg10[%mul3A_250, %dma_wait3A_261] : memref<10240x128xf32, #tpu.memory_space<vmem_shared>> -> memref<640x128xf32, #tpu.memory_space<vmem_shared>>
      tpu.wait_dma2 semaphore(%run_scoped3A : memref<!tpu.dma_semaphore, #tpu.memory_space<semaphore_mem>>) src(%dma_wait3A_262 : memref<640x128xf32, #tpu.memory_space<vmem_shared>>) dst(%dma_wait3A_260 : memref<640x128xf32, #tpu.memory_space<hbm>>)
      tpu.yield
    }) : () -> ()
    return
  }
}

module attributes {stable_mosaic.version = 14 : i64} {
  func.func @_y_body(%arg0: memref<2x10000x1xf32, #tpu.memory_space<vmem>>, %arg1: memref<10000x128xf32, #tpu.memory_space<vmem>>, %arg2: memref<10000x128xf32, #tpu.memory_space<vmem>>) attributes {dimension_semantics = [], scalar_prefetch = 0 : i64, scratch_operands = 0 : i64, tpu.core_type = #tpu.core_type<tc>} {
    %get3A = arith.constant 0 : index
    %get3A_0 = arith.constant 0 : index
    %get3A_1 = arith.constant 0 : index
    %get3A_2 = vector.load %arg0[%get3A, %get3A_0, %get3A_1] : memref<2x10000x1xf32, #tpu.memory_space<vmem>>, vector<2x10000x1xf32>
    %reduce_sum3A = arith.constant dense<0.000000e+00> : vector<10000x1xf32>
    %reduce_sum3A_3 = vector.multi_reduction <add>, %get3A_2, %reduce_sum3A [0] : vector<2x10000x1xf32> to vector<10000x1xf32>
    %add3A = arith.constant 1.000000e+00 : f32
    %add3A_4 = vector.broadcast %add3A : f32 to vector<10000x1xf32>
    %add3A_5 = arith.addf %reduce_sum3A_3, %add3A_4 : vector<10000x1xf32>
    %rsqrt3A = math.rsqrt %add3A_5 : vector<10000x1xf32>
    %get3A_6 = arith.constant 0 : index
    %get3A_7 = arith.constant 0 : index
    %get3A_8 = vector.load %arg1[%get3A_6, %get3A_7] : memref<10000x128xf32, #tpu.memory_space<vmem>>, vector<10000x128xf32>
    %mul3A = vector.broadcast %rsqrt3A : vector<10000x1xf32> to vector<10000x128xf32>
    %mul3A_9 = arith.mulf %get3A_8, %mul3A : vector<10000x128xf32>
    %swap3A = arith.constant 0 : index
    %swap3A_10 = arith.constant 0 : index
    %swap3A_11 = vector.load %arg2[%swap3A, %swap3A_10] : memref<10000x128xf32, #tpu.memory_space<vmem>>, vector<10000x128xf32>
    tpu.vector_store %arg2[%swap3A, %swap3A_10], %mul3A_9 {strides = array<i32>} : memref<10000x128xf32, #tpu.memory_space<vmem>>, vector<10000x128xf32>,
    return
  }
}

module attributes {stable_mosaic.version = 14 : i64} {
  func.func @_comb_body(%arg0: memref<2x10000x1xf32, #tpu.memory_space<vmem>>, %arg1: memref<2x10240x128xf32, #tpu.memory_space<vmem>>, %arg2: memref<10000x128xf32, #tpu.memory_space<vmem>>, %arg3: memref<10000x128xf32, #tpu.memory_space<vmem>>, %arg4: memref<128x128xf32, #tpu.memory_space<vmem>>, %arg5: memref<10000x128xf32, #tpu.memory_space<vmem>>) attributes {dimension_semantics = [], scalar_prefetch = 0 : i64, scratch_operands = 0 : i64, tpu.core_type = #tpu.core_type<tc>} {
    %get3A = arith.constant 0 : index
    %get3A_0 = arith.constant 0 : index
    %get3A_1 = arith.constant 0 : index
    %get3A_2 = vector.load %arg0[%get3A, %get3A_0, %get3A_1] : memref<2x10000x1xf32, #tpu.memory_space<vmem>>, vector<2x10000x1xf32>
    %reduce_sum3A = arith.constant dense<0.000000e+00> : vector<10000x1xf32>
    %reduce_sum3A_3 = vector.multi_reduction <add>, %get3A_2, %reduce_sum3A [0] : vector<2x10000x1xf32> to vector<10000x1xf32>
    %add3A = arith.constant 1.000000e+00 : f32
    %add3A_4 = vector.broadcast %add3A : f32 to vector<10000x1xf32>
    %add3A_5 = arith.addf %reduce_sum3A_3, %add3A_4 : vector<10000x1xf32>
    %rsqrt3A = math.rsqrt %add3A_5 : vector<10000x1xf32>
    %get3A_6 = arith.constant 0 : index
    %get3A_7 = arith.constant 0 : index
    %get3A_8 = arith.constant 0 : index
    %get3A_9 = vector.load %arg1[%get3A_6, %get3A_7, %get3A_8] : memref<2x10240x128xf32, #tpu.memory_space<vmem>>, vector<2x10240x128xf32>
    %slice3A = vector.extract_strided_slice %get3A_9 {offsets = [0, 0, 0], sizes = [1, 10000, 128], strides = [1, 1, 1]} : vector<2x10240x128xf32> to vector<1x10000x128xf32>
    %squeeze3A = vector.shape_cast %slice3A : vector<1x10000x128xf32> to vector<10000x128xf32>
    %slice3A_10 = vector.extract_strided_slice %get3A_9 {offsets = [1, 0, 0], sizes = [1, 10000, 128], strides = [1, 1, 1]} : vector<2x10240x128xf32> to vector<1x10000x128xf32>
    %squeeze3A_11 = vector.shape_cast %slice3A_10 : vector<1x10000x128xf32> to vector<10000x128xf32>
    %add3A_12 = arith.addf %squeeze3A, %squeeze3A_11 : vector<10000x128xf32>
    %get3A_13 = arith.constant 0 : index
    %get3A_14 = arith.constant 0 : index
    %get3A_15 = vector.load %arg2[%get3A_13, %get3A_14] : memref<10000x128xf32, #tpu.memory_space<vmem>>, vector<10000x128xf32>
    %mul3A = vector.broadcast %rsqrt3A : vector<10000x1xf32> to vector<10000x128xf32>
    %mul3A_16 = arith.mulf %mul3A, %add3A_12 : vector<10000x128xf32>
    %mul3A_17 = arith.mulf %rsqrt3A, %rsqrt3A : vector<10000x1xf32>
    %mul3A_18 = vector.broadcast %mul3A_17 : vector<10000x1xf32> to vector<10000x128xf32>
    %mul3A_19 = arith.mulf %mul3A_18, %get3A_15 : vector<10000x128xf32>
    %add3A_20 = arith.addf %mul3A_16, %mul3A_19 : vector<10000x128xf32>
    %mul3A_21 = arith.constant 0.899999976 : f32
    %mul3A_22 = vector.broadcast %mul3A_21 : f32 to vector<10000x128xf32>
    %mul3A_23 = arith.mulf %mul3A_22, %add3A_20 : vector<10000x128xf32>
    %get3A_24 = arith.constant 0 : index
    %get3A_25 = arith.constant 0 : index
    %get3A_26 = vector.load %arg3[%get3A_24, %get3A_25] : memref<10000x128xf32, #tpu.memory_space<vmem>>, vector<10000x128xf32>
    %mul3A_27 = arith.constant 1.000000e-01 : f32
    %mul3A_28 = vector.broadcast %mul3A_27 : f32 to vector<10000x128xf32>
    %mul3A_29 = arith.mulf %mul3A_28, %get3A_26 : vector<10000x128xf32>
    %add3A_30 = arith.addf %mul3A_23, %mul3A_29 : vector<10000x128xf32>
    %get3A_31 = arith.constant 0 : index
    %get3A_32 = arith.constant 0 : index
    %get3A_33 = vector.load %arg4[%get3A_31, %get3A_32] : memref<128x128xf32, #tpu.memory_space<vmem>>, vector<128x128xf32>
    %dot_general3A = arith.constant dense<0.000000e+00> : vector<10000x128xf32>
    %dot_general3A_34 = tpu.matmul %add3A_30, %get3A_33, %dot_general3A {dimension_numbers = #tpu.dot_dimension_numbers<[1], [0], [0], [1], [0, 0, 1, 1], [], []>, transpose_lhs_hint = false} : vector<10000x128xf32>, vector<128x128xf32>, vector<10000x128xf32> -> vector<10000x128xf32>
    %mul3A_35 = arith.constant 0.306852818 : f32
    %mul3A_36 = vector.broadcast %mul3A_35 : f32 to vector<10000x128xf32>
    %mul3A_37 = arith.mulf %mul3A_36, %add3A_30 : vector<10000x128xf32>
    %mul3A_38 = arith.constant 0.693147182 : f32
    %mul3A_39 = vector.broadcast %mul3A_38 : f32 to vector<10000x128xf32>
    %mul3A_40 = arith.mulf %mul3A_39, %dot_general3A_34 : vector<10000x128xf32>
    %add3A_41 = arith.addf %mul3A_37, %mul3A_40 : vector<10000x128xf32>
    %max3A = arith.constant 0.000000e+00 : f32
    %max3A_42 = vector.broadcast %max3A : f32 to vector<10000x128xf32>
    %max3A_43 = arith.maximumf %add3A_41, %max3A_42 : vector<10000x128xf32>
    %add3A_44 = arith.addf %get3A_15, %max3A_43 : vector<10000x128xf32>
    %swap3A = arith.constant 0 : index
    %swap3A_45 = arith.constant 0 : index
    %swap3A_46 = vector.load %arg5[%swap3A, %swap3A_45] : memref<10000x128xf32, #tpu.memory_space<vmem>>, vector<10000x128xf32>
    tpu.vector_store %arg5[%swap3A, %swap3A_45], %add3A_44 {strides = array<i32>} : memref<10000x128xf32, #tpu.memory_space<vmem>>, vector<10000x128xf32>,
    return
  }
}

</mosaic_0001>

<sc_bundles>
// kernel: kernel.6.cloned.1.call-start
scs
__scs_entry_jumppad:
0x0: {  	(pc) =	sbr.rel $0x88, $3  }
0x1: {  	(tag) =	ssettag $0x0;
	lr =	simm.s32 $0x1  }
0x2: {  	[smem:$0x3F9D] =	sst lr;
	_ =	strace $0xD0000000  }
0x3: {  	_ = 	snop  }
0x4: {  	_ = 	snop  }
0x5: {  	_ = 	snop  }
0x6: {  	_ = 	snop  }
0x7: {  	_ = 	snop  }
__scs_overlays_trampoline_lowered:
0x8: {  	[smem:$0x3FAC] =	sst s0  }
0x9: {  	[smem:$0x3FAD] =	sst s1  }
0xa: {  	[smem:$0x3FAE] =	sst s2  }
0xb: {  	[smem:$0x3FAF] =	sst s3  }
0xc: {  	[smem:$0x3FB0] =	sst s4  }
0xd: {  	[smem:$0x3FB1] =	sst s5  }
0xe: {  	[smem:$0x3FB2] =	sst s6  }
0xf: {  	[smem:$0x3FB3] =	sst s7  }
0x10: {  	[smem:$0x3FB4] =	sst s8  }
0x11: {  	[smem:$0x3FB5] =	sst s9;
	s0 =	simm.s32 @!p0 $0x0  }
0x12: {  	s1 =	sld [smem:$0x3F9B];
	s0 =	simm.s32 @p0 $0x1  }
0x13: {  	[smem:$0x3FB6] =	sst s0;
	s0 =	simm.s32 @!p1 $0x0  }
0x14: {  	s2 =	sld [smem:$0x3F9A];
	s0 =	simm.s32 @p1 $0x1  }
0x15: {  	[smem:$0x3FB7] =	sst s0;
	s0 =	simm.s32 @!p2 $0x0  }
0x16: {  	s3 =	sld [smem:$0x3FDB];
	s0 =	simm.s32 @p2 $0x1  }
0x17: {  	s4 =	simm.s32 $0x1BF5;
	[smem:$0x3FB9] =	sst s0  }
0x18: {  	s0 =	sld [smem:$0x3F9C];
	_ =	swait.ge [sflag:s4], $0x0  }
0x19: {  	s7 =	sld [smem:$0x3F9D]  }
0x1a: {  	s8 =	sadd.s32 $0xFFFFE003, lr  }
0x1b: {  	s9 =	sadd.s32 $0xFFFFFEF7, lr;
	s5 =	simm.s32 $0xFFFFFFFF;
	p2 =	slt.u32 s8, $0xFFFFF086  }
0x1c: {  	p1 =	slt.u32 s9, $0xF7A;
	s5 =	simm.s32 @!p2 $0x0  }
0x1d: {  	s5 =	simm.s32 @p1 $0x1;
	p0 =	seq.s32 s7, s2  }
0x1e: {  	s7 =	smul.u32 @!p0 $0xF7A, s2;
	p2 =	seq.s32 @!p0 s5, $0x0  }
0x1f: {  	s9 =	smul.u32 $0xF7A, s1;
	s8 =	simm.s32 @!p0 $0x1BF5;
	p2 =	por !p2, p0  }
0x20: {  	[sflag:s8] =	ssyncset.s32 @!p0 $0xFFFFF086;
	s6 =	sadd.s32 @!p0 s3, s7;
	s7 =	simm.s32 @!p0 $0x108  }
0x21: {  	s3 =	sadd.s32 s3, s9;
	s6 =	sadd.s32 @!p0 $0x88, s6;
	s7 =	simm.s32 @p2 $0x1082  }
0x22: {  	[simem:s7], [sflag:s8] =	dma.local @!p0 [hbm:s6], $0xF7A  }
0x23: {  	s9 =	sor.u32 $0xD0000000, s2;
	s6 =	simm.s32 $0x108;
	_ =	swait.ge @!p0 [sflag:s8], $0x0  }
0x24: {  	s3 =	sadd.s32 $0x88, s3;
	s6 =	simm.s32 @!p1 $0x1082;
	[sflag:s4] =	ssyncset.s32 $0xFFFFF086  }
0x25: {  	[simem:s6], [sflag:s4] =	dma.local [hbm:s3], $0xF7A  }
0x26: {  	[smem:$0x3F9D] =	sst s1;
	(tag) =	ssettag s2;
	_ =	strace s9  }
0x27: {  	s1 =	sld [smem:$0x3FAD]  }
0x28: {  	s2 =	sld [smem:$0x3FAE]  }
0x29: {  	s4 =	sld [smem:$0x3FB0]  }
0x2a: {  	p0 =	seq.s32 s5, $0x0;
	s5 =	sld [smem:$0x3FB1]  }
0x2b: {  	s6 =	sld [smem:$0x3FB2]  }
0x2c: {  	s7 =	sld [smem:$0x3FB3]  }
0x2d: {  	s3 =	simm.s32 $0x108;
	s8 =	sld [smem:$0x3FB4]  }
0x2e: {  	s3 =	simm.s32 @!p0 $0x1082;
	s9 =	sld [smem:$0x3FB5]  }
0x2f: {  	lr =	sadd.s32 s0, s3;
	s0 =	sld [smem:$0x3FAC]  }
0x30: {  	s3 =	sld [smem:$0x3FAF]  }
0x31: {  	[smem:$0x3FB8] =	sst s10  }
0x32: {  	s10 =	sld [smem:$0x3FB6];
	_ =	sdelay $0x3  }
0x33: {  	p0 =	seq.s32 s10, $0x1;
	s10 =	sld [smem:$0x3FB8];
	_ =	sdelay $0x3  }
0x34: {  	[smem:$0x3FB8] =	sst s10  }
0x35: {  	s10 =	sld [smem:$0x3FB7];
	_ =	sdelay $0x3  }
0x36: {  	p1 =	seq.s32 s10, $0x1;
	s10 =	sld [smem:$0x3FB8];
	_ =	sdelay $0x3  }
0x37: {  	[smem:$0x3FB8] =	sst s10  }
0x38: {  	s10 =	sld [smem:$0x3FB9]  }
0x39: {  	_ = 	snop;
	(pc) =	sbr.ind lr, $3  }
0x3a: {  	_ = 	snop  }
0x3b: {  	_ = 	snop  }
0x3c: {  	p2 =	seq.s32 s10, $0x1;
	s10 =	sld [smem:$0x3FB8]  }
0x3d: {  	_ =	shalt  }
0x3e: {  	_ =	shalt  }
0x3f: {  	_ =	shalt  }
0x40: {  	_ =	shalt  }
0x41: {  	_ =	shalt  }
0x42: {  	_ =	shalt  }
0x43: {  	_ =	shalt  }
0x44: {  	_ =	shalt  }
0x45: {  	_ =	shalt  }
0x46: {  	_ =	shalt  }
0x47: {  	_ =	shalt  }
0x48: {  	_ =	shalt  }
0x49: {  	_ =	shalt  }
0x4a: {  	_ =	shalt  }
0x4b: {  	_ =	shalt  }
0x4c: {  	_ =	shalt  }
0x4d: {  	_ =	shalt  }
0x4e: {  	_ =	shalt  }
0x4f: {  	_ =	shalt  }
0x50: {  	_ =	shalt  }
0x51: {  	_ =	shalt  }
0x52: {  	_ =	shalt  }
0x53: {  	_ =	shalt  }
0x54: {  	_ =	shalt  }
0x55: {  	_ =	shalt  }
0x56: {  	_ =	shalt  }
0x57: {  	_ =	shalt  }
0x58: {  	_ =	shalt  }
0x59: {  	_ =	shalt  }
0x5a: {  	_ =	shalt  }
0x5b: {  	_ =	shalt  }
0x5c: {  	_ =	shalt  }
0x5d: {  	_ =	shalt  }
0x5e: {  	_ =	shalt  }
0x5f: {  	_ =	shalt  }
0x60: {  	_ =	shalt  }
0x61: {  	_ =	shalt  }
0x62: {  	_ =	shalt  }
0x63: {  	_ =	shalt  }
0x64: {  	_ =	shalt  }
0x65: {  	_ =	shalt  }
0x66: {  	_ =	shalt  }
0x67: {  	_ =	shalt  }
0x68: {  	_ =	shalt  }
0x69: {  	_ =	shalt  }
0x6a: {  	_ =	shalt  }
0x6b: {  	_ =	shalt  }
0x6c: {  	_ =	shalt  }
0x6d: {  	_ =	shalt  }
0x6e: {  	_ =	shalt  }
0x6f: {  	_ =	shalt  }
0x70: {  	_ =	shalt  }
0x71: {  	_ =	shalt  }
0x72: {  	_ =	shalt  }
0x73: {  	_ =	shalt  }
0x74: {  	_ =	shalt  }
0x75: {  	_ =	shalt  }
0x76: {  	_ =	shalt  }
0x77: {  	_ =	shalt  }
0x78: {  	_ =	shalt  }
0x79: {  	_ =	shalt  }
0x7a: {  	_ =	shalt  }
0x7b: {  	_ =	shalt  }
0x7c: {  	_ =	shalt  }
0x7d: {  	_ =	shalt  }
0x7e: {  	_ =	shalt  }
0x7f: {  	_ =	shalt  }
0x80: {  	_ =	shalt  }
0x81: {  	_ =	shalt  }
0x82: {  	_ =	shalt  }
0x83: {  	_ =	shalt  }
0x84: {  	_ =	shalt  }
0x85: {  	_ =	shalt  }
0x86: {  	_ =	shalt  }
0x87: {  	_ =	shalt  }
.Lfunc_end0:
.L_simem_size_0:
called_computation_lowered:
.L_overlay_start_0:
0x88: {  	s2 =	sld [smem:$0x3FD9]  }
0x89: {  	s3 =	sld [smem:$0x3FFE];
	_ =	sdelay $0x1  }
0x8a: {  	s1 =	srdreg.scid  }
0x8b: {  	s0 =	sand.u32 $0x1, s1  }
0x8c: {  	s16 =	sshll.u32 s0, $0xA;
	s2 =	sadd.s32 s3, s2  }
0x8d: {  	s2 =	sadd.s32 s2, s16  }
0x8e: {  	[smem:$0x3FC4] =	sst s2  }
0x8f: {  	_ = 	snop  }
0x90: {  	(tm) =	ssettm $0x1  }
0x91: {  	s17 =	sld [smem:$0x3FFB];
	_ =	sdelay $0x3  }
0x92: {  	_ =	strace s17  }
0x93: {  	s2 =	sld [smem:$0x3FFC];
	_ =	sdelay $0x3  }
0x94: {  	_ =	strace s2  }
0x95: {  	s2 =	sld [smem:$0x3FFD];
	_ =	sdelay $0x3  }
0x96: {  	_ =	strace s2  }
0x97: {  	_ =	strace $0x8FFFFFFF  }
0x98: {  	s18 =	sld [smem:$0x3FDB];
	_ =	sdelay $0x1  }
0x99: {  	s19 =	simm.s32 $_scs_section_size  }
0x9a: {  	s4 =	simm.s32 $_size__tile_overlayer_lowered;
	s5 =	simm.s32 $_tile_overlayer_lowered  }
0x9b: {  	s22 =	simm.s32 $0x1BFF;
	s21 =	sshll.u32 s5, $0x1;
	s2 =	sadd.s32 s19, s18  }
0x9c: {  	s6 =	simm.s32 $0x0;
	s20 =	sshll.u32 s4, $0x1;
	s4 =	sadd.s32 s21, s2  }
0x9d: {  	[timem:s6], [sflag:s22] =	dma.local [hbm:s4], s20  }
0x9e: {  	_ =	swait.ge [sflag:s22], s20  }
0x9f: {  	s3 =	ssub.s32 $0x0, s20;
	[sflag:s22] =	ssyncset.done $0x0  }
0xa0: {  	[sflag:s22] =	ssyncadd.s32 s3;
	_ =	sdelay $0x1  }
0xa1: {  	s23 =	simm.s32 $0x1B8B  }
0xa2: {  	_ =	swait.ge [sflag:s23], $0x1  }
0xa3: {  	[sflag:s23] =	ssyncset.done $0x0  }
0xa4: {  	s25 =	simm.s32 $0x1B8E;
	s24 =	sld [smem:$0x3FFE];
	[sflag:s23] =	ssyncadd.s32 $0xFFFFFFFF  }
0xa5: {  	s26 =	simm.s32 $execute0_lowered;
	[smem:$0x3FD2] =	sst s25  }
0xa6: {  	s4 =	sshll.u32 s26, $0x1;
	_ =	strace $0x80000046;
	[dreg:$0x1] =	wrdreg $0xFFFFFFFF  }
0xa7: {  	s28 =	simm.s32 $_size_execute0_lowered;
	s2 =	sadd.s32 s2, s4;
	[dreg:$0x0] =	wrdreg $0x0  }
0xa8: {  	s4 =	sshll.u32 s28, $0x1;
	[dreg:$0x2] =	wrdreg s2  }
0xa9: {  	[dreg:$0x3] =	wrdreg s4  }
0xaa: {  	[dreg:$0x4] =	wrdreg $0xC0  }
0xab: {  	_ =	task [dreg:s6], $0x5FFFF  }
0xac: {  	[dreg:$0x1] =	wrdreg $0xFFFFFFFF  }
0xad: {  	[dreg:$0x0] =	wrdreg $0x60  }
0xae: {  	[dreg:$0x2] =	wrdreg s24  }
0xaf: {  	[dreg:$0x3] =	wrdreg $0x28800  }
0xb0: {  	[dreg:$0x4] =	wrdreg $0x9  }
0xb1: {  	_ =	task.clear_ibuf [dreg:s6], $0x5FFFF;
	_ =	strace $0x90000046  }
0xb2: {  	s29 =	simm.s32 $0x9;
	_ =	strace $0x80000048  }
0xb3: {  	_ =	swait.ge [sflag:s29], $0x1  }
0xb4: {  	[sflag:s29] =	ssyncadd.s32 $0xFFFFFFFF  }
0xb5: {  	_ =	strace $0x90000048  }
0xb6: {  	_ =	sfence  }
0xb7: {  	s30 =	sld [smem:$0x0];
	_ =	sdelay $0x2  }
0xb8: {  	s31 =	sshll.u32 s1, $0xD;
	s1 =	sshrl.u32 s1, $0x2  }
0xb9: {  	s3 =	sand.u32 $0x4000, s31;
	s1 =	sadd.s32 s1, s30  }
0xba: {  	s0 =	sor.u32 s3, s0;
	s1 =	sshll.u32 s1, $0x11  }
0xbb: {  	s0 =	sor.u32 s1, s0  }
0xbc: {  	s0 =	sadd.s32 $0x8F2B, s0  }
0xbd: {  	[sflag:s0] =	ssyncadd.remote.s32 $0x1  }
0xbe: {  	_ =	sfence.sel $0xFFFF  }
0xbf: {  	[dreg:$0x0] =	wrdreg $0xFFFFFFFF;
	(pc) =	sbr.abs _section_cstart, $3  }
0xc0: {  	[dreg:$0x1] =	wrdreg $0xFFFFFFFF  }
0xc1: {  	_ =	task.clear_ibuf [dreg:s6], $0x2FFFF;
	_ =	strace $0x9FFFFFFF  }
0xc2: {  	(tm) =	ssettm $0x7FFFFFFF  }
0xc3: {  	_ =	shalt  }
tec
execute0_lowered:
.L_overlay_start_1:
0x0: {  	(tag) =	ssettag $0x1  }
0x1: {  	s0 =	srdreg.scid;
	s5 =	rddreg [dreg:$0x0]  }
0x2: {  	s2 =	rddreg [dreg:$0x1];
	s3 =	simm.s32 $0x0;
	s12 =	simm.s32 $0x2800  }
0x3: {  	s13 =	simm.s32 $0x0;
	s4 =	sand.u32 $0x1, s0;
	s0 =	stileid.u32  }
0x4: {  	[smem:$0x7FF] =	sst s3;
	s1 =	sshll.u32 s4, $0x4;
	s7 =	smul.u32 $0x280, s0  }
0x5: {  	s8 =	smul.u32 $0x2800, s4;
	s4 =	ssub.s32 $0x2, s4;
	s1 =	sor.u32 s0, s1  }
0x6: {  	s31 =	sshll.u32 s0, $0x6;
	s10 =	sshrl.u32 s4, $0x1;
	s6 =	smul.u32 $0x500, s1  }
0x7: {  	s1 =	rddreg [dreg:$0x2];
	_ =	strace $0x80000047;
	s8 =	sadd.s32 s7, s8  }
0x8: {  	s9 =	sshrl.u32 s7, $0x3;
	s10 =	ssub.s32 s4, s10;
	s11 =	sadd.s32 s7, s2  }
0x9: {  	s8 =	sshrl.u32 s8, $0x3;
	s9 =	sadd.s32 s9, s5;
	s7 =	smax.u32 s10, $0x1  }
0xa: {  	s10 =	sshrl.u32 s11, $0x3;
	s11 =	simm.s32 $0x80;
	s6 =	sadd.s32 s6, s5  }
0xb: {  	s8 =	sadd.s32 s8, s5;
	s5 =	sadd.s32 $0xB400, s9;
	s9 =	sor.u32 $0x1C01, s31  }
0xc: {  	v0 =	vimm.f32 $1.000000000e+00;
	s4 =	sadd.s32 $0x1400, s6;
	s6 =	sadd.s32 $0xBA00, s8;
	s8 =	simm.s32 $0x1  }
.LBB2_1:
0xd: {  	[tilespmem:s3], [sflag:$0x1] =	stream.linear.gather [hbm4b:s4+s3], $0x2800, $0x38;
	[tilespmem:$0x2B00] =	vst v63  }
0xe: {  	_ =	swait.ge [sflag:s8], $0x2800  }
0xf: {  	[sflag:s8] =	ssyncset.done $0x0  }
0x10: {  	[sflag:s8] =	ssyncadd.s32 $0xFFFFD800  }
0x11: {  	[tilespmem:$0x2800] =	vst v0  }
0x12: {  	[tilespmem:$0x2810] =	vst v0  }
0x13: {  	[tilespmem:$0x2820] =	vst v0  }
0x14: {  	[tilespmem:$0x2830] =	vst v0  }
0x15: {  	[tilespmem:$0x2840] =	vst v0  }
0x16: {  	[tilespmem:$0x2850] =	vst v0  }
0x17: {  	[tilespmem:$0x2860] =	vst v0  }
0x18: {  	[tilespmem:$0x2870] =	vst v0  }
0x19: {  	[spmem:s10], [sflag:s9] =	dma.local [hbm:s5], $0x50  }
0x1a: {  	_ =	swait.ge [sflag:s8], $0x50  }
0x1b: {  	[sflag:s8] =	ssyncset.done $0x0  }
0x1c: {  	[sflag:s8] =	ssyncadd.s32 $0xFFFFFFB0  }
0x1d: {  	s14 =	simm.s32 $0x0;
	[bflag:$0x0] =	sbarrier.arrive $0xFFFF  }
0x1e: {  	[spmem:s2] =	stream.indirect.scatter.add.f32 [tilespmem:s12], [sflag:$0x1], $0x1, s14, s11, $0xb8;
	[tilespmem:$0x2B00] =	vst v63  }
0x1f: {  	_ =	swait.ge [sflag:s8], $0x80  }
0x20: {  	s14 =	simm.s32 $0x200;
	[sflag:s8] =	ssyncset.done $0x0  }
.LBB2_2:
0x21: {  	s15 =	sshra.s32 s14, $0x2;
	[sflag:s8] =	ssyncadd.s32 $0xFFFFFF80;
	p0 =	sne.s32 s14, $0x9E00  }
0x22: {  	[spmem:s2] =	stream.indirect.scatter.add.f32 [tilespmem:s12], [sflag:$0x1], $0x1, s15, s11, $0xb8;
	[tilespmem:$0x2B00] =	vst v63  }
.Ltmp0:
0x23: {  	_ = 	snop;
	(pc) =	sbr.rel @p0 .LBB2_2-.Ltmp0, $4  }
0x24: {  	_ = 	snop  }
0x25: {  	s14 =	sadd.s32 $0x200, s14  }
0x26: {  	_ =	swait.ge [sflag:s8], $0x80  }
0x27: {  	[sflag:s8] =	ssyncset.done $0x0  }
0x28: {  	s13 =	sadd.s32 $0x1, s13  }
0x29: {  	[sflag:s8] =	ssyncadd.s32 $0xFFFFFF80;
	p0 =	sne.s32 s13, s7  }
.Ltmp1:
0x2a: {  	[bflag:$0x0] =	sbarrier.arrive $0xFFFF;
	(pc) =	sbr.rel @p0 .LBB2_1-.Ltmp1, $4  }
0x2b: {  	[hbm:s6], [sflag:s9] =	dma.local [spmem:s10], $0x50  }
0x2c: {  	_ =	swait.ge [sflag:s8], $0x50  }
0x2d: {  	[sflag:s8] =	ssyncset.done $0x0  }
0x2e: {  	[sflag:s8] =	ssyncadd.s32 $0xFFFFFFB0  }
0x2f: {  	_ =	sfence.sel $0x180000  }
0x30: {  	[bflag:$0x0] =	sbarrier.arrive $0xFFFF  }
0x31: {  	p0 =	sne.s32 s0, $0x0;
	_ =	strace $0x90000047  }
0x32: {  	s0 =	sadd.s32 @!p0 $0x100000, s1;
	[bflag:$0x2] =	sbarrier.arrive $0xFFFF  }
0x33: {  	[sflag:s0] =	ssyncadd.tile.s32 @!p0 $0x1;
	_ =	shalt  }
.Lfunc_end2:
_tile_overlayer_lowered:
.L_overlay_start_2:
0x34: {  	(tag) =	ssettag $0x2  }
0x35: {  	s0 =	rddreg [dreg:$0x0];
	s2 =	stileid.u32  }
0x36: {  	s1 =	rddreg [dreg:$0x1];
	p0 =	sne.s32 s2, $0x0  }
0x37: {  	s3 =	rddreg [dreg:$0x2];
	[bflag:$0x3] =	sbarrier.arrive $0xFFFF;
	s2 =	simm.s32 @!p0 $0x1C01  }
0x38: {  	[timem:s3], [sflag:s2] =	dma.local @!p0 [hbm:s0], s1  }
0x39: {  	s0 =	simm.s32 @!p0 $0x1  }
0x3a: {  	_ =	swait.ge @!p0 [sflag:s0], s1  }
0x3b: {  	s1 =	ssub.s32 @!p0 $0x0, s1;
	[sflag:s0] =	ssyncset.done @!p0 $0x0  }
0x3c: {  	[sflag:s0] =	ssyncadd.s32 @!p0 s1  }
0x3d: {  	[bflag:$0x3] =	sbarrier.arrive $0xFFFF  }
0x3e: {  	_ =	shalt  }

// kernel: kernel.9.cloned.1.call-start
scs
__scs_entry_jumppad:
0x0: {  	(pc) =	sbr.rel $0x88, $3  }
0x1: {  	(tag) =	ssettag $0x0;
	lr =	simm.s32 $0x1  }
0x2: {  	[smem:$0x3F9D] =	sst lr;
	_ =	strace $0xD0000000  }
0x3: {  	_ = 	snop  }
0x4: {  	_ = 	snop  }
0x5: {  	_ = 	snop  }
0x6: {  	_ = 	snop  }
0x7: {  	_ = 	snop  }
__scs_overlays_trampoline_lowered:
0x8: {  	[smem:$0x3FAC] =	sst s0  }
0x9: {  	[smem:$0x3FAD] =	sst s1  }
0xa: {  	[smem:$0x3FAE] =	sst s2  }
0xb: {  	[smem:$0x3FAF] =	sst s3  }
0xc: {  	[smem:$0x3FB0] =	sst s4  }
0xd: {  	[smem:$0x3FB1] =	sst s5  }
0xe: {  	[smem:$0x3FB2] =	sst s6  }
0xf: {  	[smem:$0x3FB3] =	sst s7  }
0x10: {  	[smem:$0x3FB4] =	sst s8  }
0x11: {  	[smem:$0x3FB5] =	sst s9;
	s0 =	simm.s32 @!p0 $0x0  }
0x12: {  	s1 =	sld [smem:$0x3F9B];
	s0 =	simm.s32 @p0 $0x1  }
0x13: {  	[smem:$0x3FB6] =	sst s0;
	s0 =	simm.s32 @!p1 $0x0  }
0x14: {  	s2 =	sld [smem:$0x3F9A];
	s0 =	simm.s32 @p1 $0x1  }
0x15: {  	[smem:$0x3FB7] =	sst s0;
	s0 =	simm.s32 @!p2 $0x0  }
0x16: {  	s3 =	sld [smem:$0x3FDB];
	s0 =	simm.s32 @p2 $0x1  }
0x17: {  	s4 =	simm.s32 $0x1BF5;
	[smem:$0x3FB9] =	sst s0  }
0x18: {  	s0 =	sld [smem:$0x3F9C];
	_ =	swait.ge [sflag:s4], $0x0  }
0x19: {  	s7 =	sld [smem:$0x3F9D]  }
0x1a: {  	s8 =	sadd.s32 $0xFFFFE003, lr  }
0x1b: {  	s9 =	sadd.s32 $0xFFFFFEF7, lr;
	s5 =	simm.s32 $0xFFFFFFFF;
	p2 =	slt.u32 s8, $0xFFFFF086  }
0x1c: {  	p1 =	slt.u32 s9, $0xF7A;
	s5 =	simm.s32 @!p2 $0x0  }
0x1d: {  	s5 =	simm.s32 @p1 $0x1;
	p0 =	seq.s32 s7, s2  }
0x1e: {  	s7 =	smul.u32 @!p0 $0xF7A, s2;
	p2 =	seq.s32 @!p0 s5, $0x0  }
0x1f: {  	s9 =	smul.u32 $0xF7A, s1;
	s8 =	simm.s32 @!p0 $0x1BF5;
	p2 =	por !p2, p0  }
0x20: {  	[sflag:s8] =	ssyncset.s32 @!p0 $0xFFFFF086;
	s6 =	sadd.s32 @!p0 s3, s7;
	s7 =	simm.s32 @!p0 $0x108  }
0x21: {  	s3 =	sadd.s32 s3, s9;
	s6 =	sadd.s32 @!p0 $0x88, s6;
	s7 =	simm.s32 @p2 $0x1082  }
0x22: {  	[simem:s7], [sflag:s8] =	dma.local @!p0 [hbm:s6], $0xF7A  }
0x23: {  	s9 =	sor.u32 $0xD0000000, s2;
	s6 =	simm.s32 $0x108;
	_ =	swait.ge @!p0 [sflag:s8], $0x0  }
0x24: {  	s3 =	sadd.s32 $0x88, s3;
	s6 =	simm.s32 @!p1 $0x1082;
	[sflag:s4] =	ssyncset.s32 $0xFFFFF086  }
0x25: {  	[simem:s6], [sflag:s4] =	dma.local [hbm:s3], $0xF7A  }
0x26: {  	[smem:$0x3F9D] =	sst s1;
	(tag) =	ssettag s2;
	_ =	strace s9  }
0x27: {  	s1 =	sld [smem:$0x3FAD]  }
0x28: {  	s2 =	sld [smem:$0x3FAE]  }
0x29: {  	s4 =	sld [smem:$0x3FB0]  }
0x2a: {  	p0 =	seq.s32 s5, $0x0;
	s5 =	sld [smem:$0x3FB1]  }
0x2b: {  	s6 =	sld [smem:$0x3FB2]  }
0x2c: {  	s7 =	sld [smem:$0x3FB3]  }
0x2d: {  	s3 =	simm.s32 $0x108;
	s8 =	sld [smem:$0x3FB4]  }
0x2e: {  	s3 =	simm.s32 @!p0 $0x1082;
	s9 =	sld [smem:$0x3FB5]  }
0x2f: {  	lr =	sadd.s32 s0, s3;
	s0 =	sld [smem:$0x3FAC]  }
0x30: {  	s3 =	sld [smem:$0x3FAF]  }
0x31: {  	[smem:$0x3FB8] =	sst s10  }
0x32: {  	s10 =	sld [smem:$0x3FB6];
	_ =	sdelay $0x3  }
0x33: {  	p0 =	seq.s32 s10, $0x1;
	s10 =	sld [smem:$0x3FB8];
	_ =	sdelay $0x3  }
0x34: {  	[smem:$0x3FB8] =	sst s10  }
0x35: {  	s10 =	sld [smem:$0x3FB7];
	_ =	sdelay $0x3  }
0x36: {  	p1 =	seq.s32 s10, $0x1;
	s10 =	sld [smem:$0x3FB8];
	_ =	sdelay $0x3  }
0x37: {  	[smem:$0x3FB8] =	sst s10  }
0x38: {  	s10 =	sld [smem:$0x3FB9]  }
0x39: {  	_ = 	snop;
	(pc) =	sbr.ind lr, $3  }
0x3a: {  	_ = 	snop  }
0x3b: {  	_ = 	snop  }
0x3c: {  	p2 =	seq.s32 s10, $0x1;
	s10 =	sld [smem:$0x3FB8]  }
0x3d: {  	_ =	shalt  }
0x3e: {  	_ =	shalt  }
0x3f: {  	_ =	shalt  }
0x40: {  	_ =	shalt  }
0x41: {  	_ =	shalt  }
0x42: {  	_ =	shalt  }
0x43: {  	_ =	shalt  }
0x44: {  	_ =	shalt  }
0x45: {  	_ =	shalt  }
0x46: {  	_ =	shalt  }
0x47: {  	_ =	shalt  }
0x48: {  	_ =	shalt  }
0x49: {  	_ =	shalt  }
0x4a: {  	_ =	shalt  }
0x4b: {  	_ =	shalt  }
0x4c: {  	_ =	shalt  }
0x4d: {  	_ =	shalt  }
0x4e: {  	_ =	shalt  }
0x4f: {  	_ =	shalt  }
0x50: {  	_ =	shalt  }
0x51: {  	_ =	shalt  }
0x52: {  	_ =	shalt  }
0x53: {  	_ =	shalt  }
0x54: {  	_ =	shalt  }
0x55: {  	_ =	shalt  }
0x56: {  	_ =	shalt  }
0x57: {  	_ =	shalt  }
0x58: {  	_ =	shalt  }
0x59: {  	_ =	shalt  }
0x5a: {  	_ =	shalt  }
0x5b: {  	_ =	shalt  }
0x5c: {  	_ =	shalt  }
0x5d: {  	_ =	shalt  }
0x5e: {  	_ =	shalt  }
0x5f: {  	_ =	shalt  }
0x60: {  	_ =	shalt  }
0x61: {  	_ =	shalt  }
0x62: {  	_ =	shalt  }
0x63: {  	_ =	shalt  }
0x64: {  	_ =	shalt  }
0x65: {  	_ =	shalt  }
0x66: {  	_ =	shalt  }
0x67: {  	_ =	shalt  }
0x68: {  	_ =	shalt  }
0x69: {  	_ =	shalt  }
0x6a: {  	_ =	shalt  }
0x6b: {  	_ =	shalt  }
0x6c: {  	_ =	shalt  }
0x6d: {  	_ =	shalt  }
0x6e: {  	_ =	shalt  }
0x6f: {  	_ =	shalt  }
0x70: {  	_ =	shalt  }
0x71: {  	_ =	shalt  }
0x72: {  	_ =	shalt  }
0x73: {  	_ =	shalt  }
0x74: {  	_ =	shalt  }
0x75: {  	_ =	shalt  }
0x76: {  	_ =	shalt  }
0x77: {  	_ =	shalt  }
0x78: {  	_ =	shalt  }
0x79: {  	_ =	shalt  }
0x7a: {  	_ =	shalt  }
0x7b: {  	_ =	shalt  }
0x7c: {  	_ =	shalt  }
0x7d: {  	_ =	shalt  }
0x7e: {  	_ =	shalt  }
0x7f: {  	_ =	shalt  }
0x80: {  	_ =	shalt  }
0x81: {  	_ =	shalt  }
0x82: {  	_ =	shalt  }
0x83: {  	_ =	shalt  }
0x84: {  	_ =	shalt  }
0x85: {  	_ =	shalt  }
0x86: {  	_ =	shalt  }
0x87: {  	_ =	shalt  }
.Lfunc_end0:
.L_simem_size_0:
called_computation.1_lowered:
.L_overlay_start_0:
0x88: {  	s2 =	sld [smem:$0x3FD9]  }
0x89: {  	s3 =	sld [smem:$0x3FFE];
	_ =	sdelay $0x1  }
0x8a: {  	s1 =	srdreg.scid  }
0x8b: {  	s0 =	sand.u32 $0x1, s1  }
0x8c: {  	s17 =	sshll.u32 s0, $0xA;
	s2 =	sadd.s32 s3, s2  }
0x8d: {  	s2 =	sadd.s32 s2, s17  }
0x8e: {  	[smem:$0x3FC4] =	sst s2  }
0x8f: {  	_ = 	snop  }
0x90: {  	s2 =	sld [smem:$0x3FD0];
	(tm) =	ssettm $0x1  }
0x91: {  	s18 =	sld [smem:$0x3FFB];
	_ =	sdelay $0x3  }
0x92: {  	_ =	strace s18  }
0x93: {  	s3 =	sld [smem:$0x3FFC];
	_ =	sdelay $0x3  }
0x94: {  	_ =	strace s3  }
0x95: {  	s3 =	sld [smem:$0x3FFD];
	_ =	sdelay $0x3  }
0x96: {  	_ =	strace s3  }
0x97: {  	_ =	strace $0x8FFFFFFF  }
0x98: {  	s19 =	sld [smem:$0x3FDB];
	_ =	sdelay $0x1  }
0x99: {  	s4 =	simm.s32 $_scs_section_size  }
0x9a: {  	s5 =	simm.s32 $_size__tile_overlayer_lowered;
	s6 =	simm.s32 $_tile_overlayer_lowered  }
0x9b: {  	s22 =	simm.s32 $0x1BFF;
	s21 =	sshll.u32 s6, $0x1;
	s3 =	sadd.s32 s4, s19  }
0x9c: {  	s7 =	simm.s32 $0x0;
	s20 =	sshll.u32 s5, $0x1;
	s5 =	sadd.s32 s21, s3  }
0x9d: {  	[timem:s7], [sflag:s22] =	dma.local [hbm:s5], s20  }
0x9e: {  	_ =	swait.ge [sflag:s22], s20  }
0x9f: {  	s4 =	ssub.s32 $0x0, s20;
	[sflag:s22] =	ssyncset.done $0x0  }
0xa0: {  	[sflag:s22] =	ssyncadd.s32 s4;
	_ =	sdelay $0x1  }
0xa1: {  	s23 =	simm.s32 $0x1B8B  }
0xa2: {  	_ =	swait.ge [sflag:s23], $0x1  }
0xa3: {  	[sflag:s23] =	ssyncset.done $0x0  }
0xa4: {  	s25 =	simm.s32 $0x1B8E;
	s24 =	sld [smem:$0x3FFE];
	[sflag:s23] =	ssyncadd.s32 $0xFFFFFFFF  }
0xa5: {  	s26 =	simm.s32 $execute0_lowered;
	[smem:$0x3FD2] =	sst s25  }
0xa6: {  	s5 =	sshll.u32 s26, $0x1;
	_ =	strace $0x80000049;
	[dreg:$0x1] =	wrdreg $0xFFFFFFFF  }
0xa7: {  	s28 =	simm.s32 $_size_execute0_lowered;
	s3 =	sadd.s32 s3, s5;
	[dreg:$0x0] =	wrdreg $0x0  }
0xa8: {  	s5 =	sshll.u32 s28, $0x1;
	[dreg:$0x2] =	wrdreg s3  }
0xa9: {  	[dreg:$0x3] =	wrdreg s5  }
0xaa: {  	[dreg:$0x4] =	wrdreg $0xC0  }
0xab: {  	_ =	task [dreg:s7], $0x5FFFF  }
0xac: {  	[dreg:$0x1] =	wrdreg $0xFFFFFFFF  }
0xad: {  	[dreg:$0x0] =	wrdreg $0x60  }
0xae: {  	[dreg:$0x2] =	wrdreg s24  }
0xaf: {  	[dreg:$0x3] =	wrdreg s2  }
0xb0: {  	[dreg:$0x4] =	wrdreg $0xBE000  }
0xb1: {  	[dreg:$0x5] =	wrdreg $0x9  }
0xb2: {  	_ =	task.clear_ibuf [dreg:s7], $0x6FFFF;
	_ =	strace $0x90000049  }
0xb3: {  	s29 =	simm.s32 $0x9;
	_ =	strace $0x8000004B  }
0xb4: {  	_ =	swait.ge [sflag:s29], $0x1  }
0xb5: {  	[sflag:s29] =	ssyncadd.s32 $0xFFFFFFFF  }
0xb6: {  	_ =	strace $0x9000004B  }
0xb7: {  	_ =	sfence  }
0xb8: {  	s30 =	sld [smem:$0x0];
	_ =	sdelay $0x2  }
0xb9: {  	s31 =	sshll.u32 s1, $0xD;
	s1 =	sshrl.u32 s1, $0x2  }
0xba: {  	s3 =	sand.u32 $0x4000, s31;
	s1 =	sadd.s32 s1, s30  }
0xbb: {  	s0 =	sor.u32 s3, s0;
	s1 =	sshll.u32 s1, $0x11  }
0xbc: {  	s0 =	sor.u32 s1, s0  }
0xbd: {  	s0 =	sadd.s32 $0x8F2B, s0  }
0xbe: {  	[sflag:s0] =	ssyncadd.remote.s32 $0x1  }
0xbf: {  	_ =	sfence.sel $0xFFFF  }
0xc0: {  	[dreg:$0x0] =	wrdreg $0xFFFFFFFF;
	(pc) =	sbr.abs _section_cstart, $3  }
0xc1: {  	[dreg:$0x1] =	wrdreg $0xFFFFFFFF  }
0xc2: {  	_ =	task.clear_ibuf [dreg:s7], $0x2FFFF;
	_ =	strace $0x9FFFFFFF  }
0xc3: {  	(tm) =	ssettm $0x7FFFFFFF  }
tec
execute0_lowered:
.L_overlay_start_1:
0x0: {  	(tag) =	ssettag $0x1  }
0x1: {  	s5 =	rddreg [dreg:$0x0]  }
0x2: {  	s7 =	rddreg [dreg:$0x1]  }
0x3: {  	s1 =	rddreg [dreg:$0x2]  }
0x4: {  	s2 =	srdreg.scid;
	s3 =	simm.s32 $0x0;
	s0 =	stileid.u32  }
0x5: {  	s12 =	simm.s32 $0x78;
	s16 =	simm.s32 $0x5;
	s17 =	simm.s32 $0x80  }
0x6: {  	s19 =	simm.s32 $0x1;
	s20 =	simm.s32 $0x3D00;
	s8 =	smul.u32 $0x14000, s0  }
0x7: {  	s21 =	simm.s32 $0x2;
	s22 =	simm.s32 $0x3D80;
	s9 =	smul.u32 $0x1400, s0  }
0x8: {  	s23 =	simm.s32 $0x7E00;
	s24 =	simm.s32 $0x3;
	s11 =	smul.u32 $0x50000, s0  }
0x9: {  	s25 =	simm.s32 $0x4;
	s15 =	sand.u32 $0x1, s2;
	s29 =	smul.u32 $0x780, s0  }
0xa: {  	[smem:$0x7FF] =	sst s3;
	s4 =	sadd.s32 $0x1400, s5;
	s6 =	smul.u32 $0x140000, s15  }
0xb: {  	_ =	strace $0x8000004A;
	s26 =	ssub.s32 $0x2, s15;
	p0 =	seq.s32 s15, $0x0  }
0xc: {  	s10 =	sshrl.u32 s26, $0x1;
	s28 =	sshrl.u32 s9, $0x3;
	s30 =	sshrl.u32 s11, $0x2  }
0xd: {  	s12 =	simm.s32 @!p0 $0x28;
	p0 =	sne.s32 s15, $0x0;
	s6 =	sadd.s32 s8, s6  }
0xe: {  	s15 =	simm.s32 $0x3E00;
	s14 =	ssub.s32 s26, s10;
	s6 =	sshrl.u32 s6, $0x3  }
0xf: {  	s14 =	smax.u32 s14, $0x1;
	s13 =	sadd.s32 s6, s5;
	s5 =	sadd.s32 s7, s28  }
0x10: {  	s6 =	sadd.s32 s30, s1;
	s7 =	sadd.s32 s7, s29;
	s31 =	sadd.s32 $0x7800, s5  }
0x11: {  	s8 =	sadd.s32 $0x4000, s6;
	s9 =	sadd.s32 $0x8000, s6;
	s10 =	sadd.s32 $0xC000, s6  }
0x12: {  	v0 =	vimm.f32 $0.0e+00;
	s11 =	sadd.s32 $0x10000, s6;
	s13 =	sadd.s32 $0x29400, s13;
	[dreg:$0x4] =	wrdreg s31  }
.LBB2_1:
0x13: {  	s26 =	simm.s32 @p0 $0x0;
	s0 =	rddreg [dreg:$0x4]  }
0x14: {  	[tilespmem:s26], [sflag:$0x5] =	stream.linear.gather @p0 [hbm4b:s0+s26], $0x1400, $0x38;
	[tilespmem:$0x1FE00] =	vst v63  }
0x15: {  	s26 =	simm.s32 @p0 $0x5  }
0x16: {  	_ =	swait.ge @p0 [sflag:s26], $0x1400  }
0x17: {  	[sflag:s26] =	ssyncset.done @p0 $0x0  }
0x18: {  	[sflag:s26] =	ssyncadd.s32 @p0 $0xFFFFEC00;
	s26 =	simm.s32 @!p0 $0x0  }
0x19: {  	[tilespmem:s26], [sflag:$0x5] =	stream.linear.gather @!p0 [hbm4b:s7+s26], $0x3C00, $0x38;
	[tilespmem:$0x1FE00] =	vst v63  }
0x1a: {  	s26 =	simm.s32 @!p0 $0x5  }
0x1b: {  	_ =	swait.ge @!p0 [sflag:s26], $0x3C00  }
0x1c: {  	[sflag:s26] =	ssyncset.done @!p0 $0x0  }
0x1d: {  	[sflag:s26] =	ssyncadd.s32 @!p0 $0xFFFFC400;
	s26 =	simm.s32 @!p0 $0x78  }
0x1e: {  	s28 =	simm.s32 $0x0;
	s29 =	simm.s32 $0x200;
	s26 =	simm.s32 @p0 $0x28  }
.LBB2_2:
0x1f: {  	p1 =	sne.s32 s29, $0xFE00;
	[tilespmem:s28+$0x3E70] =	vst v0  }
0x20: {  	[tilespmem:s28+$0x3E00] =	vst v0  }
0x21: {  	[tilespmem:s28+$0x3E10] =	vst v0  }
.Ltmp0:
0x22: {  	[tilespmem:s28+$0x3E20] =	vst v0;
	(pc) =	sbr.rel @p1 .LBB2_2-.Ltmp0, $4  }
0x23: {  	[tilespmem:s28+$0x3E30] =	vst v0  }
0x24: {  	[tilespmem:s28+$0x3E40] =	vst v0  }
0x25: {  	[tilespmem:s28+$0x3E50] =	vst v0  }
0x26: {  	[tilespmem:s28+$0x3E60] =	vst v0;
	s28 =	sshra.s32 s29, $0x2;
	s29 =	sadd.s32 $0x200, s29  }
0x27: {  	[tilespmem:s28+$0x3E70] =	vst v0  }
0x28: {  	[tilespmem:s28+$0x3E00] =	vst v0  }
0x29: {  	[tilespmem:s28+$0x3E10] =	vst v0  }
0x2a: {  	[tilespmem:s28+$0x3E20] =	vst v0  }
0x2b: {  	[tilespmem:s28+$0x3E30] =	vst v0  }
0x2c: {  	[tilespmem:s28+$0x3E40] =	vst v0  }
0x2d: {  	[tilespmem:s28+$0x3E50] =	vst v0  }
0x2e: {  	[tilespmem:s28+$0x3E60] =	vst v0  }
0x2f: {  	[spmem:s6] =	stream.linear.scatter [tilespmem:s15], [sflag:$0x5], $0x4000, $0x38;
	[tilespmem:$0x1FE00] =	vst v63  }
0x30: {  	_ =	swait.ge [sflag:s16], $0x4000  }
0x31: {  	[sflag:s16] =	ssyncset.done $0x0  }
0x32: {  	[sflag:s16] =	ssyncadd.s32 $0xFFFFC000  }
0x33: {  	[spmem:s8] =	stream.linear.scatter [tilespmem:s15], [sflag:$0x5], $0x4000, $0x38;
	[tilespmem:$0x1FE00] =	vst v63  }
0x34: {  	_ =	swait.ge [sflag:s16], $0x4000  }
0x35: {  	[sflag:s16] =	ssyncset.done $0x0  }
0x36: {  	[sflag:s16] =	ssyncadd.s32 $0xFFFFC000  }
0x37: {  	[spmem:s9] =	stream.linear.scatter [tilespmem:s15], [sflag:$0x5], $0x4000, $0x38;
	[tilespmem:$0x1FE00] =	vst v63  }
0x38: {  	_ =	swait.ge [sflag:s16], $0x4000  }
0x39: {  	[sflag:s16] =	ssyncset.done $0x0  }
0x3a: {  	[sflag:s16] =	ssyncadd.s32 $0xFFFFC000  }
0x3b: {  	[spmem:s10] =	stream.linear.scatter [tilespmem:s15], [sflag:$0x5], $0x4000, $0x38;
	[tilespmem:$0x1FE00] =	vst v63  }
0x3c: {  	_ =	swait.ge [sflag:s16], $0x4000  }
0x3d: {  	[sflag:s16] =	ssyncset.done $0x0  }
0x3e: {  	[sflag:s16] =	ssyncadd.s32 $0xFFFFC000  }
0x3f: {  	[spmem:s11] =	stream.linear.scatter [tilespmem:s15], [sflag:$0x5], $0x4000, $0x38;
	[tilespmem:$0x1FE00] =	vst v63  }
0x40: {  	_ =	swait.ge [sflag:s16], $0x4000  }
0x41: {  	[sflag:s16] =	ssyncset.done $0x0  }
0x42: {  	[sflag:s16] =	ssyncadd.s32 $0xFFFFC000  }
0x43: {  	[bflag:$0x0] =	sbarrier.arrive $0xFFFF  }
0x44: {  	v1 =	vld [tilespmem:$0x0];
	_ =	sdelay $0x1  }
0x45: {  	v2 =	vld [tilespmem:$0x10];
	_ =	sdelay $0x1  }
0x46: {  	v3 =	vld [tilespmem:$0x20]  }
0x47: {  	v4 =	vshrl.u32 v1, $0xE  }
0x48: {  	v62 =	vld [tilespmem:$0x30];
	v1 =	vand.u32 $0x3FFF, v1;
	[tilespmem:$0x3C00] =	vst v4  }
0x49: {  	[tilespmem:$0x3D00] =	vst v1;
	v1 =	vshrl.u32 v2, $0xE  }
0x4a: {  	[tilespmem:$0x3C10] =	vst v1;
	v1 =	vand.u32 $0x3FFF, v2;
	v2 =	vld [tilespmem:$0x40]  }
0x4b: {  	[tilespmem:$0x3D10] =	vst v1;
	v1 =	vshrl.u32 v3, $0xE  }
0x4c: {  	[tilespmem:$0x3C20] =	vst v1;
	v1 =	vand.u32 $0x3FFF, v3;
	v3 =	vld [tilespmem:$0x50]  }
0x4d: {  	[tilespmem:$0x3D20] =	vst v1;
	v1 =	vshrl.u32 v62, $0xE  }
0x4e: {  	v63 =	vld [tilespmem:$0x60];
	[tilespmem:$0x3C30] =	vst v1;
	v1 =	vand.u32 $0x3FFF, v62  }
0x4f: {  	[tilespmem:$0x3D30] =	vst v1;
	v1 =	vshrl.u32 v2, $0xE  }
0x50: {  	[tilespmem:$0x3C40] =	vst v1;
	v1 =	vand.u32 $0x3FFF, v2;
	v2 =	vld [tilespmem:$0x70]  }
0x51: {  	[tilespmem:$0x3D40] =	vst v1;
	v1 =	vshrl.u32 v3, $0xE  }
0x52: {  	[tilespmem:$0x3C50] =	vst v1;
	v1 =	vand.u32 $0x3FFF, v3  }
0x53: {  	[tilespmem:$0x3D50] =	vst v1;
	v1 =	vshrl.u32 v63, $0xE  }
0x54: {  	[tilespmem:$0x3C60] =	vst v1;
	v1 =	vand.u32 $0x3FFF, v63  }
0x55: {  	[tilespmem:$0x3D60] =	vst v1;
	v1 =	vshrl.u32 v2, $0xE  }
0x56: {  	[tilespmem:$0x3C70] =	vst v1;
	v1 =	vand.u32 $0x3FFF, v2  }
0x57: {  	s0 =	simm.s32 $0x3C00;
	[tilespmem:$0x3D70] =	vst v1  }
0x58: {  	[tilespmem:s15], [sflag:$0x1] =	stream.indirect.gather [hbm4b:s4+s17], $0x80, s0, s17, $0xb8;
	[tilespmem:$0x1FE00] =	vst v63  }
0x59: {  	_ =	swait.ge [sflag:s19], $0x4000  }
0x5a: {  	[sflag:s19] =	ssyncset.done $0x0  }
0x5b: {  	s28 =	simm.s32 $0xC0;
	p1 =	sle.u32 s26, $0x1;
	[sflag:s19] =	ssyncadd.s32 $0xFFFFC000  }
0x5c: {  	[spmem:s1] =	stream.indirect.scatter.add.f32 [tilespmem:s15], [sflag:$0x3], $0x80, s20, s17, $0xb8;
	[tilespmem:$0x1FE00] =	vst v63  }
0x5d: {  	v1 =	vld @!p1 [tilespmem:s28+$0xFFFFFFC0];
	_ =	sdelay $0x4  }
0x5e: {  	v2 =	vshrl.u32 @!p1 v1, $0xE  }
0x5f: {  	v1 =	vand.u32 @!p1 $0x3FFF, v1;
	[tilespmem:$0x3C80] =	vst @!p1 v2  }
0x60: {  	[tilespmem:$0x3D80] =	vst @!p1 v1  }
0x61: {  	v1 =	vld @!p1 [tilespmem:s28+$0xFFFFFFD0];
	_ =	sdelay $0x4  }
0x62: {  	v2 =	vshrl.u32 @!p1 v1, $0xE  }
0x63: {  	v1 =	vand.u32 @!p1 $0x3FFF, v1;
	[tilespmem:$0x3C90] =	vst @!p1 v2  }
0x64: {  	[tilespmem:$0x3D90] =	vst @!p1 v1  }
0x65: {  	v1 =	vld @!p1 [tilespmem:s28+$0xFFFFFFE0];
	_ =	sdelay $0x4  }
0x66: {  	v2 =	vshrl.u32 @!p1 v1, $0xE  }
0x67: {  	v1 =	vand.u32 @!p1 $0x3FFF, v1;
	[tilespmem:$0x3CA0] =	vst @!p1 v2  }
0x68: {  	[tilespmem:$0x3DA0] =	vst @!p1 v1  }
0x69: {  	v1 =	vld @!p1 [tilespmem:s28+$0xFFFFFFF0];
	_ =	sdelay $0x4  }
0x6a: {  	v2 =	vshrl.u32 @!p1 v1, $0xE  }
0x6b: {  	v1 =	vand.u32 @!p1 $0x3FFF, v1;
	[tilespmem:$0x3CB0] =	vst @!p1 v2  }
0x6c: {  	[tilespmem:$0x3DB0] =	vst @!p1 v1  }
0x6d: {  	v1 =	vld @!p1 [tilespmem:s28+$0x0];
	_ =	sdelay $0x4  }
0x6e: {  	v2 =	vshrl.u32 @!p1 v1, $0xE  }
0x6f: {  	v1 =	vand.u32 @!p1 $0x3FFF, v1;
	[tilespmem:$0x3CC0] =	vst @!p1 v2  }
0x70: {  	[tilespmem:$0x3DC0] =	vst @!p1 v1  }
0x71: {  	v1 =	vld @!p1 [tilespmem:s28+$0x10];
	_ =	sdelay $0x4  }
0x72: {  	v2 =	vshrl.u32 @!p1 v1, $0xE  }
0x73: {  	v1 =	vand.u32 @!p1 $0x3FFF, v1;
	[tilespmem:$0x3CD0] =	vst @!p1 v2  }
0x74: {  	[tilespmem:$0x3DD0] =	vst @!p1 v1  }
0x75: {  	v1 =	vld @!p1 [tilespmem:s28+$0x20];
	_ =	sdelay $0x4  }
0x76: {  	v2 =	vshrl.u32 @!p1 v1, $0xE  }
0x77: {  	v1 =	vand.u32 @!p1 $0x3FFF, v1;
	[tilespmem:$0x3CE0] =	vst @!p1 v2  }
0x78: {  	[tilespmem:$0x3DE0] =	vst @!p1 v1  }
0x79: {  	v1 =	vld @!p1 [tilespmem:s28+$0x30];
	_ =	sdelay $0x4  }
0x7a: {  	p2 =	por @!p1 $0x1, $0x1;
	v2 =	vshrl.u32 @!p1 v1, $0xE  }
0x7b: {  	p2 =	por p2, p1;
	v1 =	vand.u32 @!p1 $0x3FFF, v1;
	[tilespmem:$0x3CF0] =	vst @!p1 v2  }
0x7c: {  	s29 =	simm.s32 @!p2 $0x4;
	[tilespmem:$0x3DF0] =	vst @!p1 v1  }
0x7d: {  	_ =	swait.ge @!p2 [sflag:s29], $0x4000  }
0x7e: {  	s30 =	simm.s32 @!p1 $0x7E00;
	[sflag:s29] =	ssyncset.done @!p2 $0x0  }
0x7f: {  	s31 =	simm.s32 @!p1 $0x3C80;
	[sflag:s29] =	ssyncadd.s32 @!p2 $0xFFFFC000;
	s29 =	simm.s32 @!p1 $0x80  }
0x80: {  	[tilespmem:s30], [sflag:$0x2] =	stream.indirect.gather @!p1 [hbm4b:s4+s29], $0x80, s31, s29, $0xb8;
	[tilespmem:$0x1FE00] =	vst v63  }
0x81: {  	_ =	swait.ge [sflag:s21], $0x4000  }
0x82: {  	[sflag:s21] =	ssyncset.done $0x0  }
0x83: {  	p2 =	sle.u32 s26, $0x2;
	[sflag:s21] =	ssyncadd.s32 $0xFFFFC000  }
0x84: {  	[spmem:s1] =	stream.indirect.scatter.add.f32 [tilespmem:s23], [sflag:$0x4], $0x80, s22, s17, $0xb8;
	[tilespmem:$0x1FE00] =	vst v63  }
0x85: {  	v1 =	vld @!p2 [tilespmem:s28+$0x40];
	_ =	sdelay $0x4  }
0x86: {  	v2 =	vshrl.u32 @!p2 v1, $0xE  }
0x87: {  	v1 =	vand.u32 @!p2 $0x3FFF, v1;
	[tilespmem:$0x3C00] =	vst @!p2 v2  }
0x88: {  	[tilespmem:$0x3D00] =	vst @!p2 v1  }
0x89: {  	v1 =	vld @!p2 [tilespmem:s28+$0x50];
	_ =	sdelay $0x4  }
0x8a: {  	v2 =	vshrl.u32 @!p2 v1, $0xE  }
0x8b: {  	v1 =	vand.u32 @!p2 $0x3FFF, v1;
	[tilespmem:$0x3C10] =	vst @!p2 v2  }
0x8c: {  	[tilespmem:$0x3D10] =	vst @!p2 v1  }
0x8d: {  	v1 =	vld @!p2 [tilespmem:s28+$0x60];
	_ =	sdelay $0x4  }
0x8e: {  	v2 =	vshrl.u32 @!p2 v1, $0xE  }
0x8f: {  	v1 =	vand.u32 @!p2 $0x3FFF, v1;
	[tilespmem:$0x3C20] =	vst @!p2 v2  }
0x90: {  	[tilespmem:$0x3D20] =	vst @!p2 v1  }
0x91: {  	v1 =	vld @!p2 [tilespmem:s28+$0x70];
	_ =	sdelay $0x4  }
0x92: {  	v2 =	vshrl.u32 @!p2 v1, $0xE  }
0x93: {  	v1 =	vand.u32 @!p2 $0x3FFF, v1;
	[tilespmem:$0x3C30] =	vst @!p2 v2  }
0x94: {  	[tilespmem:$0x3D30] =	vst @!p2 v1  }
0x95: {  	v1 =	vld @!p2 [tilespmem:s28+$0x80];
	_ =	sdelay $0x4  }
0x96: {  	v2 =	vshrl.u32 @!p2 v1, $0xE  }
0x97: {  	v1 =	vand.u32 @!p2 $0x3FFF, v1;
	[tilespmem:$0x3C40] =	vst @!p2 v2  }
0x98: {  	[tilespmem:$0x3D40] =	vst @!p2 v1  }
0x99: {  	v1 =	vld @!p2 [tilespmem:s28+$0x90];
	_ =	sdelay $0x2  }
0x9a: {  	p1 =	sne.s32 s12, $0x2  }
.Ltmp1:
0x9b: {  	_ = 	snop;
	(pc) =	sbr.rel @!p1 .LBB2_5-.Ltmp1, $4  }
0x9c: {  	v2 =	vshrl.u32 @!p2 v1, $0xE  }
0x9d: {  	v1 =	vand.u32 @!p2 $0x3FFF, v1;
	[tilespmem:$0x3C50] =	vst @!p2 v2  }
0x9e: {  	[tilespmem:$0x3D50] =	vst @!p2 v1  }
0x9f: {  	s29 =	simm.s32 $0x2;
	s30 =	simm.s32 $0xC0;
	v1 =	vld @!p2 [tilespmem:s28+$0xA0]  }
.LBB2_4:
0xa0: {  	_ = 	snop  }
0xa1: {  	s30 =	sadd.s32 $0x100, s30;
	s31 =	smov.u32 s29;
	s29 =	sadd.s32 $0x2, s29  }
0xa2: {  	p1 =	sne.s32 s12, s29;
	_ =	sdelay $0x1  }
0xa3: {  	v2 =	vshrl.u32 @!p2 v1, $0xE;
	v1 =	vand.u32 @!p2 $0x3FFF, v1  }
0xa4: {  	[tilespmem:$0x3C60] =	vst @!p2 v2  }
0xa5: {  	[tilespmem:$0x3D60] =	vst @!p2 v1  }
0xa6: {  	v1 =	vld @!p2 [tilespmem:s28+$0xB0];
	s28 =	smov.u32 s30;
	_ =	sdelay $0x4  }
0xa7: {  	v2 =	vshrl.u32 @!p2 v1, $0xE;
	v1 =	vand.u32 @!p2 $0x3FFF, v1  }
0xa8: {  	s0 =	simm.s32 @!p2 $0x3;
	[tilespmem:$0x3C70] =	vst @!p2 v2  }
0xa9: {  	[tilespmem:$0x3D70] =	vst @!p2 v1  }
0xaa: {  	s18 =	simm.s32 @!p2 $0x3E00;
	_ =	swait.ge @!p2 [sflag:s0], $0x4000  }
0xab: {  	s2 =	simm.s32 @!p2 $0x80;
	s5 =	simm.s32 @!p2 $0x3C00;
	[sflag:s0] =	ssyncset.done @!p2 $0x0  }
0xac: {  	[sflag:s0] =	ssyncadd.s32 @!p2 $0xFFFFC000  }
0xad: {  	[tilespmem:s18], [sflag:$0x1] =	stream.indirect.gather @!p2 [hbm4b:s4+s2], $0x80, s5, s2, $0xb8;
	[tilespmem:$0x1FE00] =	vst v63  }
0xae: {  	_ =	swait.ge [sflag:s19], $0x4000  }
0xaf: {  	s0 =	sadd.s32 $0x1, s31;
	[sflag:s19] =	ssyncset.done $0x0  }
0xb0: {  	p2 =	sge.u32 s0, s26;
	[sflag:s19] =	ssyncadd.s32 $0xFFFFC000  }
0xb1: {  	[spmem:s1] =	stream.indirect.scatter.add.f32 [tilespmem:s15], [sflag:$0x3], $0x80, s20, s17, $0xb8;
	[tilespmem:$0x1FE00] =	vst v63  }
0xb2: {  	p3 =	seq.s32 @!p2 s31, $0x0;
	v1 =	vld @!p2 [tilespmem:s30+$0xFFFFFFC0];
	_ =	sdelay $0x4  }
0xb3: {  	v2 =	vshrl.u32 @!p2 v1, $0xE;
	v1 =	vand.u32 @!p2 $0x3FFF, v1  }
0xb4: {  	[tilespmem:$0x3C80] =	vst @!p2 v2  }
0xb5: {  	[tilespmem:$0x3D80] =	vst @!p2 v1  }
0xb6: {  	v1 =	vld @!p2 [tilespmem:s30+$0xFFFFFFD0];
	_ =	sdelay $0x4  }
0xb7: {  	v2 =	vshrl.u32 @!p2 v1, $0xE;
	v1 =	vand.u32 @!p2 $0x3FFF, v1  }
0xb8: {  	[tilespmem:$0x3C90] =	vst @!p2 v2  }
0xb9: {  	[tilespmem:$0x3D90] =	vst @!p2 v1  }
0xba: {  	v1 =	vld @!p2 [tilespmem:s30+$0xFFFFFFE0];
	_ =	sdelay $0x4  }
0xbb: {  	v2 =	vshrl.u32 @!p2 v1, $0xE;
	v1 =	vand.u32 @!p2 $0x3FFF, v1  }
0xbc: {  	[tilespmem:$0x3CA0] =	vst @!p2 v2  }
0xbd: {  	[tilespmem:$0x3DA0] =	vst @!p2 v1  }
0xbe: {  	v1 =	vld @!p2 [tilespmem:s30+$0xFFFFFFF0];
	_ =	sdelay $0x4  }
0xbf: {  	v2 =	vshrl.u32 @!p2 v1, $0xE;
	v1 =	vand.u32 @!p2 $0x3FFF, v1  }
0xc0: {  	[tilespmem:$0x3CB0] =	vst @!p2 v2  }
0xc1: {  	[tilespmem:$0x3DB0] =	vst @!p2 v1  }
0xc2: {  	v1 =	vld @!p2 [tilespmem:s30+$0x0];
	_ =	sdelay $0x4  }
0xc3: {  	v2 =	vshrl.u32 @!p2 v1, $0xE;
	v1 =	vand.u32 @!p2 $0x3FFF, v1  }
0xc4: {  	[tilespmem:$0x3CC0] =	vst @!p2 v2  }
0xc5: {  	[tilespmem:$0x3DC0] =	vst @!p2 v1  }
0xc6: {  	v1 =	vld @!p2 [tilespmem:s30+$0x10];
	_ =	sdelay $0x4  }
0xc7: {  	v2 =	vshrl.u32 @!p2 v1, $0xE;
	v1 =	vand.u32 @!p2 $0x3FFF, v1  }
0xc8: {  	[tilespmem:$0x3CD0] =	vst @!p2 v2  }
0xc9: {  	[tilespmem:$0x3DD0] =	vst @!p2 v1  }
0xca: {  	v1 =	vld @!p2 [tilespmem:s30+$0x20];
	_ =	sdelay $0x4  }
0xcb: {  	v2 =	vshrl.u32 @!p2 v1, $0xE;
	v1 =	vand.u32 @!p2 $0x3FFF, v1  }
0xcc: {  	[tilespmem:$0x3CE0] =	vst @!p2 v2  }
0xcd: {  	[tilespmem:$0x3DE0] =	vst @!p2 v1  }
0xce: {  	v1 =	vld @!p2 [tilespmem:s30+$0x30];
	_ =	sdelay $0x4  }
0xcf: {  	v2 =	vshrl.u32 @!p2 v1, $0xE;
	v1 =	vand.u32 @!p2 $0x3FFF, v1  }
0xd0: {  	p3 =	por p3, p2;
	[tilespmem:$0x3CF0] =	vst @!p2 v2  }
0xd1: {  	s0 =	simm.s32 @!p3 $0x4;
	[tilespmem:$0x3DF0] =	vst @!p2 v1  }
0xd2: {  	_ =	swait.ge @!p3 [sflag:s0], $0x4000  }
0xd3: {  	s2 =	simm.s32 @!p2 $0x7E00;
	[sflag:s0] =	ssyncset.done @!p3 $0x0  }
0xd4: {  	s5 =	simm.s32 @!p2 $0x3C80;
	[sflag:s0] =	ssyncadd.s32 @!p3 $0xFFFFC000;
	s0 =	simm.s32 @!p2 $0x80  }
0xd5: {  	[tilespmem:s2], [sflag:$0x2] =	stream.indirect.gather @!p2 [hbm4b:s4+s0], $0x80, s5, s0, $0xb8;
	[tilespmem:$0x1FE00] =	vst v63  }
0xd6: {  	_ =	swait.ge [sflag:s21], $0x4000  }
0xd7: {  	[sflag:s21] =	ssyncset.done $0x0  }
0xd8: {  	p2 =	sge.u32 s29, s26;
	[sflag:s21] =	ssyncadd.s32 $0xFFFFC000  }
0xd9: {  	[spmem:s1] =	stream.indirect.scatter.add.f32 [tilespmem:s23], [sflag:$0x4], $0x80, s22, s17, $0xb8;
	[tilespmem:$0x1FE00] =	vst v63  }
0xda: {  	v1 =	vld @!p2 [tilespmem:s30+$0x40];
	_ =	sdelay $0x4  }
0xdb: {  	v2 =	vshrl.u32 @!p2 v1, $0xE;
	v1 =	vand.u32 @!p2 $0x3FFF, v1  }
0xdc: {  	[tilespmem:$0x3C00] =	vst @!p2 v2  }
0xdd: {  	[tilespmem:$0x3D00] =	vst @!p2 v1  }
0xde: {  	v1 =	vld @!p2 [tilespmem:s30+$0x50];
	_ =	sdelay $0x4  }
0xdf: {  	v2 =	vshrl.u32 @!p2 v1, $0xE;
	v1 =	vand.u32 @!p2 $0x3FFF, v1  }
0xe0: {  	[tilespmem:$0x3C10] =	vst @!p2 v2  }
0xe1: {  	[tilespmem:$0x3D10] =	vst @!p2 v1  }
0xe2: {  	v1 =	vld @!p2 [tilespmem:s30+$0x60];
	_ =	sdelay $0x4  }
0xe3: {  	v2 =	vshrl.u32 @!p2 v1, $0xE;
	v1 =	vand.u32 @!p2 $0x3FFF, v1  }
0xe4: {  	[tilespmem:$0x3C20] =	vst @!p2 v2  }
0xe5: {  	[tilespmem:$0x3D20] =	vst @!p2 v1  }
0xe6: {  	v1 =	vld @!p2 [tilespmem:s30+$0x70];
	_ =	sdelay $0x4  }
0xe7: {  	v2 =	vshrl.u32 @!p2 v1, $0xE;
	v1 =	vand.u32 @!p2 $0x3FFF, v1  }
0xe8: {  	[tilespmem:$0x3C30] =	vst @!p2 v2  }
0xe9: {  	[tilespmem:$0x3D30] =	vst @!p2 v1  }
0xea: {  	v1 =	vld @!p2 [tilespmem:s30+$0x80];
	_ =	sdelay $0x4  }
0xeb: {  	v2 =	vshrl.u32 @!p2 v1, $0xE;
	v1 =	vand.u32 @!p2 $0x3FFF, v1  }
0xec: {  	[tilespmem:$0x3C40] =	vst @!p2 v2  }
0xed: {  	[tilespmem:$0x3D40] =	vst @!p2 v1  }
0xee: {  	v1 =	vld @!p2 [tilespmem:s30+$0x90];
	_ =	sdelay $0x3  }
.Ltmp2:
0xef: {  	(pc) =	sbr.rel @p1 .LBB2_4-.Ltmp2, $4  }
0xf0: {  	v2 =	vshrl.u32 @!p2 v1, $0xE;
	v1 =	vand.u32 @!p2 $0x3FFF, v1  }
0xf1: {  	[tilespmem:$0x3C50] =	vst @!p2 v2  }
0xf2: {  	[tilespmem:$0x3D50] =	vst @!p2 v1  }
0xf3: {  	v1 =	vld @!p2 [tilespmem:s30+$0xA0]  }
.LBB2_5:
0xf4: {  	_ =	sdelay $0x3  }
0xf5: {  	v2 =	vshrl.u32 @!p2 v1, $0xE  }
0xf6: {  	v1 =	vand.u32 @!p2 $0x3FFF, v1;
	[tilespmem:$0x3C60] =	vst @!p2 v2  }
0xf7: {  	[tilespmem:$0x3D60] =	vst @!p2 v1  }
0xf8: {  	v1 =	vld @!p2 [tilespmem:s28+$0xB0];
	_ =	sdelay $0x4  }
0xf9: {  	v2 =	vshrl.u32 @!p2 v1, $0xE  }
0xfa: {  	v1 =	vand.u32 @!p2 $0x3FFF, v1;
	[tilespmem:$0x3C70] =	vst @!p2 v2  }
0xfb: {  	s0 =	simm.s32 @!p2 $0x3;
	[tilespmem:$0x3D70] =	vst @!p2 v1  }
0xfc: {  	_ =	swait.ge @!p2 [sflag:s0], $0x4000  }
0xfd: {  	s2 =	simm.s32 @!p2 $0x3E00;
	[sflag:s0] =	ssyncset.done @!p2 $0x0  }
0xfe: {  	s5 =	simm.s32 @!p2 $0x80;
	s18 =	simm.s32 @!p2 $0x3C00;
	[sflag:s0] =	ssyncadd.s32 @!p2 $0xFFFFC000  }
0xff: {  	[tilespmem:s2], [sflag:$0x1] =	stream.indirect.gather @!p2 [hbm4b:s4+s5], $0x80, s18, s5, $0xb8;
	[tilespmem:$0x1FE00] =	vst v63  }
0x100: {  	_ =	swait.ge [sflag:s24], $0x4000  }
0x101: {  	[sflag:s24] =	ssyncset.done $0x0  }
0x102: {  	[sflag:s24] =	ssyncadd.s32 $0xFFFFC000  }
0x103: {  	s30 =	stileid.u32;
	_ =	swait.ge [sflag:s25], $0x4000  }
0x104: {  	s31 =	sshrl.u32 s6, $0x3;
	s3 =	sadd.s32 $0x1, s3;
	[sflag:s25] =	ssyncset.done $0x0  }
0x105: {  	p1 =	sne.s32 s3, s14;
	s0 =	sshll.u32 s30, $0x6;
	[sflag:s25] =	ssyncadd.s32 $0xFFFFC000  }
.Ltmp3:
0x106: {  	s0 =	sor.u32 $0x1C05, s0;
	[bflag:$0x0] =	sbarrier.arrive $0xFFFF;
	(pc) =	sbr.rel @p1 .LBB2_1-.Ltmp3, $4  }
0x107: {  	[hbm:s13], [sflag:s0] =	dma.local [spmem:s31], $0x2800  }
0x108: {  	_ =	swait.ge [sflag:s16], $0x2800  }
0x109: {  	[sflag:s16] =	ssyncset.done $0x0  }
0x10a: {  	[sflag:s16] =	ssyncadd.s32 $0xFFFFD800  }
0x10b: {  	_ =	sfence.sel $0x180000  }
0x10c: {  	[bflag:$0x0] =	sbarrier.arrive $0xFFFF  }
0x10d: {  	_ =	strace $0x9000004A  }
0x10e: {  	s0 =	stileid.u32;
	[bflag:$0x2] =	sbarrier.arrive $0xFFFF  }
0x10f: {  	p0 =	sne.s32 s0, $0x0;
	s0 =	rddreg [dreg:$0x3]  }
0x110: {  	s0 =	sadd.s32 @!p0 $0x100000, s0  }
0x111: {  	[sflag:s0] =	ssyncadd.tile.s32 @!p0 $0x1;
	_ =	shalt  }
.Lfunc_end2:
_tile_overlayer_lowered:
.L_overlay_start_2:
0x112: {  	(tag) =	ssettag $0x2  }
0x113: {  	s0 =	rddreg [dreg:$0x0];
	s2 =	stileid.u32  }
0x114: {  	s1 =	rddreg [dreg:$0x1];
	p0 =	sne.s32 s2, $0x0  }
0x115: {  	s3 =	rddreg [dreg:$0x2];
	[bflag:$0x3] =	sbarrier.arrive $0xFFFF;
	s2 =	simm.s32 @!p0 $0x1C05  }
0x116: {  	[timem:s3], [sflag:s2] =	dma.local @!p0 [hbm:s0], s1  }
0x117: {  	s0 =	simm.s32 @!p0 $0x5  }
0x118: {  	_ =	swait.ge @!p0 [sflag:s0], s1  }
0x119: {  	s1 =	ssub.s32 @!p0 $0x0, s1;
	[sflag:s0] =	ssyncset.done @!p0 $0x0  }
0x11a: {  	[sflag:s0] =	ssyncadd.s32 @!p0 s1  }
0x11b: {  	[bflag:$0x3] =	sbarrier.arrive $0xFFFF  }
0x11c: {  	_ =	shalt  }

</sc_bundles>
